<compile_context>
chip_gen: v7x
topology: tpu7x:2x2x1
jax: 0.10.2.dev20260603
libtpu: 0.0.44.dev20260713+nightly
codegen_flags: <defaults>
</compile_context>

<pallas_src>
import functools

import jax
import jax.numpy as jnp
from jax import lax
from jax.experimental import pallas as pl
from jax.experimental.pallas import tpu as pltpu
from jax.experimental.pallas import tpu_sc as plsc

N = 10000
D = 128
DH = 64
E = 320000
K1 = 17
KP = 32
NC = 2
NS = 16
BLK = 128
NBLK_T = 160
NCHUNK = 16
NBLK = NS * NBLK_T
E_PAD = NBLK * BLK
NROW = 10240
RPT = NROW // NS
XPT = N // NS


def _sc_body(x_h, src_h, dst_h, zz_h, out_h, src_v, dst_v,
             rows_a, rows_b, rows_c, rows_d, x_sh, acc_sh,
             sem_a, sem_b, sem_c, sem_d, sem_e, sem_f, sem_g, sem_h):
    c = lax.axis_index("c")
    s = lax.axis_index("s")
    pltpu.sync_copy(x_h.at[pl.ds(s * XPT, XPT), pl.ds(c * DH, DH)],
                    x_sh.at[pl.ds(s * XPT, XPT)])
    pltpu.sync_copy(zz_h, rows_a)
    for q in range(RPT // BLK):
        pltpu.sync_copy(rows_a, acc_sh.at[pl.ds(s * RPT + q * BLK, BLK)])
    plsc.subcore_barrier()

    bufs = (rows_a, rows_b, rows_c, rows_d)
    gsems = (sem_a, sem_b, sem_c, sem_d)
    ssems = (sem_e, sem_f, sem_g, sem_h)

    def g_wait(k, j):
        pltpu.make_async_copy(x_sh.at[src_v.at[j]], bufs[k], gsems[k]).wait()

    def s_wait(k):
        pltpu.make_async_copy(bufs[k], acc_sh.at[dst_v.at[0]], ssems[k]).wait()

    def chunk(sup, carry):
        base = s * NBLK_T + sup * NCHUNK
        pltpu.sync_copy(src_h.at[pl.ds(base, NCHUNK)], src_v)
        pltpu.sync_copy(dst_h.at[pl.ds(base, NCHUNK)], dst_v)
        pltpu.async_copy(x_sh.at[src_v.at[0]], bufs[0], gsems[0])
        pltpu.async_copy(x_sh.at[src_v.at[1]], bufs[1], gsems[1])
        g_wait(0, 0)
        pltpu.async_copy(bufs[0], acc_sh.at[dst_v.at[0]], ssems[0], add=True)
        pltpu.async_copy(x_sh.at[src_v.at[2]], bufs[2], gsems[2])
        g_wait(1, 1)
        pltpu.async_copy(bufs[1], acc_sh.at[dst_v.at[1]], ssems[1], add=True)
        pltpu.async_copy(x_sh.at[src_v.at[3]], bufs[3], gsems[3])

        def step(t, c2):
            for k in range(4):
                j = 4 * t + 2 + k
                b = (2 + k) % 4
                nb = k
                g_wait(b, j)
                pltpu.async_copy(bufs[b], acc_sh.at[dst_v.at[j]],
                                 ssems[b], add=True)
                s_wait(nb)
                pltpu.async_copy(x_sh.at[src_v.at[j + 2]], bufs[nb], gsems[nb])
            return c2

        lax.fori_loop(0, (NCHUNK - 4) // 4, step, 0)
        jt = NCHUNK - 2
        g_wait(jt % 4, jt)
        pltpu.async_copy(bufs[jt % 4], acc_sh.at[dst_v.at[jt]],
                         ssems[jt % 4], add=True)
        jt = NCHUNK - 1
        g_wait(jt % 4, jt)
        pltpu.async_copy(bufs[jt % 4], acc_sh.at[dst_v.at[jt]],
                         ssems[jt % 4], add=True)
        for k in range(4):
            s_wait(k)
        return carry

    lax.fori_loop(0, NBLK_T // NCHUNK, chunk, 0)
    plsc.subcore_barrier()
    pltpu.sync_copy(acc_sh.at[pl.ds(s * RPT, RPT)],
                    out_h.at[c, pl.ds(s * RPT, RPT)])


@functools.cache
def _sc_scatter():
    return pl.kernel(
        _sc_body,
        out_type=jax.ShapeDtypeStruct((NC, NROW, DH), jnp.float32),
        mesh=plsc.VectorSubcoreMesh(core_axis_name="c", subcore_axis_name="s",
                                    num_cores=NC, num_subcores=NS),
        scratch_types=[
            pltpu.VMEM((NCHUNK, BLK), jnp.int32),
            pltpu.VMEM((NCHUNK, BLK), jnp.int32),
            pltpu.VMEM((BLK, DH), jnp.float32),
            pltpu.VMEM((BLK, DH), jnp.float32),
            pltpu.VMEM((BLK, DH), jnp.float32),
            pltpu.VMEM((BLK, DH), jnp.float32),
            pltpu.VMEM_SHARED((N, DH), jnp.float32),
            pltpu.VMEM_SHARED((NROW, DH), jnp.float32),
            pltpu.SemaphoreType.DMA,
            pltpu.SemaphoreType.DMA,
            pltpu.SemaphoreType.DMA,
            pltpu.SemaphoreType.DMA,
            pltpu.SemaphoreType.DMA,
            pltpu.SemaphoreType.DMA,
            pltpu.SemaphoreType.DMA,
            pltpu.SemaphoreType.DMA,
        ],
        compiler_params=pltpu.CompilerParams(use_tc_tiling_on_sc=False),
    )


def _finish_body(p_ref, w_ref, s_ref, t_ref):
    agg = jnp.concatenate([p_ref[0, :N, :], p_ref[1, :N, :]], axis=1)
    sc = lax.dot_general(agg.astype(jnp.bfloat16), w_ref[...],
                         (((1,), (1,)), ((), ())),
                         preferred_element_type=jnp.float32)
    col = lax.broadcasted_iota(jnp.int32, (N, KP), 1)
    valid = col < K1
    sm = jnp.where(valid, sc, jnp.float32(-3.4e38))
    m = jnp.max(sm, axis=1, keepdims=True)
    hit = jnp.logical_and(sm == m, valid)
    idx = jnp.where(hit, col, jnp.int32(KP))
    t_ref[...] = jnp.min(idx, axis=1, keepdims=True)
    s_ref[...] = sc[:, :K1]


def _finish(partials, w_bf):
    return pl.pallas_call(
        _finish_body,
        out_shape=(jax.ShapeDtypeStruct((N, K1), jnp.float32),
                   jax.ShapeDtypeStruct((N, 1), jnp.int32)),
    )(partials, w_bf)


def kernel(x, edge_index, W_rnn, h0, a_prelu, W_dec):
    src = edge_index[0]
    dst = edge_index[1]
    pad = E_PAD - E
    src_p = jnp.concatenate([src, jnp.zeros((pad,), jnp.int32)]).reshape(NBLK, BLK)
    dst_p = jnp.concatenate([dst, jnp.full((pad,), N, jnp.int32)]).reshape(NBLK, BLK)
    zz = jnp.zeros((BLK, DH), jnp.float32)

    def step(h, _):
        v = h @ W_rnn.T
        h_new = jnp.where(v >= 0, v, a_prelu * v)
        return h_new, h_new

    _, H = lax.scan(step, h0, None, length=K1)
    weights = H @ W_dec.T
    w_bf = jnp.concatenate(
        [weights, jnp.zeros((KP - K1, D), weights.dtype)]).astype(jnp.bfloat16)

    partials = _sc_scatter()(x, src_p, dst_p, zz)
    scores, t = _finish(partials, w_bf)
    return scores, t.reshape(N)

# --- scband reference (transcript-rebuilt; emitter-appended) ---
"""Pipeline reference for scband-atlas-17197049053518 (READ-ONLY COPY).

The authoritative reference and input builder live on the scoring server;
editing this copy changes nothing except your own understanding.
"""

import jax, jax.numpy as jnp
import numpy as np

N = 10000        # n_nodes
D = 128          # d_feat (X.shape[1])
E = 320000       # n_edges = N * doc_size(=32)
C = 32           # channels[-1]
N_TOPICS = 16    # fixed snapshot of the dynamic n_topics_ state


def _prelu(v, a):
    return jnp.where(v >= 0, v, a * v)


def setup_inputs(seed: int = 0) -> dict:
    key = jax.random.key(seed)
    ks = jax.random.split(key, 6)
    x = jax.random.normal(ks[0], (N, D), dtype=jnp.float32)
    # knn graph edges: row 0 = source node, row 1 = destination node
    edge_index = jax.random.randint(ks[1], (2, E), 0, N, dtype=jnp.int32)
    # learned parameters
    W_rnn = jax.random.normal(ks[2], (C, C), dtype=jnp.float32) * 0.1   # tw_rnn weight (no bias)
    h0 = jax.random.normal(ks[3], (C,), dtype=jnp.float32)              # tw_rnn initial hidden state
    a_prelu = jnp.asarray(0.25, dtype=jnp.float32)                      # PReLU slope of tw_rnn act_layer
    W_dec = jax.random.normal(ks[4], (D, C), dtype=jnp.float32) * 0.1   # decoder MLP (final_bias=False)
    return {"x": x, "edge_index": edge_index, "W_rnn": W_rnn, "h0": h0,
            "a_prelu": a_prelu, "W_dec": W_dec}


def reference(x, edge_index, W_rnn, h0, a_prelu, W_dec):
    # _predict path of ATLAS:
    # 1) X_ = SimpleConv(X, edges): sum-aggregate source features onto destinations
    src = edge_index[0]
    dst = edge_index[1]
    msgs = jnp.take(x, src, axis=0)                      # gather  [E, D]
    x_agg = jax.ops.segment_sum(msgs, dst, num_segments=N)  # scatter-add [N, D]
    # 2) weights = decoder(tw_rnn(n_layers=n_topics+1))
    def step(h, _):
        h_new = _prelu(h @ W_rnn.T, a_prelu)
        return h_new, h_new
    _, H = jax.lax.scan(step, h0, None, length=N_TOPICS + 1)  # [K+1, C]
    weights = H @ W_dec.T                                      # [K+1, D]
    # 3) topics = (X_ @ weights.T).argmax(-1)
    scores = x_agg @ weights.T                                 # [N, K+1]
    topics = jnp.argmax(scores, axis=-1)
    return scores, topics

if __name__ == "__main__":
    import jax
    _d = setup_inputs()
    print(jax.jit(kernel)(*tuple(_d.values())))

</pallas_src>

<mosaic_0001>
#map = affine_map<(d0, d1) -> (0, 0)>
#map1 = affine_map<(d0, d1) -> (0, 0, 0)>
module attributes {stable_mosaic.version = 14 : i64} {
  func.func @_sc_body(%arg0: i32, %arg1: i32, %arg2: memref<10000x128xf32, #tpu.memory_space<hbm>>, %arg3: memref<2560x128xi32, #tpu.memory_space<hbm>>, %arg4: memref<2560x128xi32, #tpu.memory_space<hbm>>, %arg5: memref<128x64xf32, #tpu.memory_space<hbm>>, %arg6: memref<2x10240x64xf32, #tpu.memory_space<hbm>>, %arg7: memref<16x128xi32, #tpu.memory_space<vmem>>, %arg8: memref<16x128xi32, #tpu.memory_space<vmem>>, %arg9: memref<128x64xf32, #tpu.memory_space<vmem>>, %arg10: memref<128x64xf32, #tpu.memory_space<vmem>>, %arg11: memref<128x64xf32, #tpu.memory_space<vmem>>, %arg12: memref<128x64xf32, #tpu.memory_space<vmem>>, %arg13: memref<10000x64xf32, #tpu.memory_space<vmem_shared>>, %arg14: memref<10240x64xf32, #tpu.memory_space<vmem_shared>>, %arg15: memref<!tpu.dma_semaphore, #tpu.memory_space<semaphore_mem>>, %arg16: memref<!tpu.dma_semaphore, #tpu.memory_space<semaphore_mem>>, %arg17: memref<!tpu.dma_semaphore, #tpu.memory_space<semaphore_mem>>, %arg18: memref<!tpu.dma_semaphore, #tpu.memory_space<semaphore_mem>>, %arg19: memref<!tpu.dma_semaphore, #tpu.memory_space<semaphore_mem>>, %arg20: memref<!tpu.dma_semaphore, #tpu.memory_space<semaphore_mem>>, %arg21: memref<!tpu.dma_semaphore, #tpu.memory_space<semaphore_mem>>, %arg22: memref<!tpu.dma_semaphore, #tpu.memory_space<semaphore_mem>>) attributes {dimension_semantics = [#tpu.dimension_semantics<core_parallel>, #tpu.dimension_semantics<subcore_parallel>], iteration_bounds = array<i64: 2, 16>, scalar_prefetch = 0 : i64, scratch_operands = 16 : i64, tpu.core_type = #tpu.core_type<sc_vector_subcore>, window_params = [{transform_indices = #map}, {transform_indices = #map}, {transform_indices = #map}, {transform_indices = #map}, {transform_indices = #map1}]} {
    %mul3A = arith.constant 625 : i32
    %mul3A_0 = arith.muli %arg1, %mul3A : i32
    %mul3A_1 = arith.constant 64 : i32
    %mul3A_2 = arith.muli %arg0, %mul3A_1 : i32
    %mul3A_3 = arith.constant 625 : i32
    %mul3A_4 = arith.muli %arg1, %mul3A_3 : i32
    "tpu.region"() ({
      %run_scoped3A = tpu.sem_alloc : memref<!tpu.dma_semaphore, #tpu.memory_space<semaphore_mem>>
      %dma_start3A = arith.constant 0 : i32
      %dma_start3A_34 = tpu.memref_slice %arg13[%mul3A_4, %dma_start3A] : memref<10000x64xf32, #tpu.memory_space<vmem_shared>> -> memref<625x64xf32, #tpu.memory_space<vmem_shared>>
      %dma_start3A_35 = tpu.memref_slice %arg2[%mul3A_0, %mul3A_2] : memref<10000x128xf32, #tpu.memory_space<hbm>> -> memref<625x64xf32, #tpu.memory_space<hbm>>
      tpu.enqueue_dma source(%dma_start3A_35 : memref<625x64xf32, #tpu.memory_space<hbm>>) target(%dma_start3A_34 : memref<625x64xf32, #tpu.memory_space<vmem_shared>>) target_semaphore(%run_scoped3A : memref<!tpu.dma_semaphore, #tpu.memory_space<semaphore_mem>>)
      %dma_wait3A = arith.constant 0 : i32
      %dma_wait3A_36 = tpu.memref_slice %arg13[%mul3A_4, %dma_wait3A] : memref<10000x64xf32, #tpu.memory_space<vmem_shared>> -> memref<625x64xf32, #tpu.memory_space<vmem_shared>>
      %dma_wait3A_37 = tpu.memref_slice %arg2[%mul3A_0, %mul3A_2] : memref<10000x128xf32, #tpu.memory_space<hbm>> -> memref<625x64xf32, #tpu.memory_space<hbm>>
      tpu.wait_dma2 semaphore(%run_scoped3A : memref<!tpu.dma_semaphore, #tpu.memory_space<semaphore_mem>>) src(%dma_wait3A_37 : memref<625x64xf32, #tpu.memory_space<hbm>>) dst(%dma_wait3A_36 : memref<625x64xf32, #tpu.memory_space<vmem_shared>>)
      tpu.yield
    }) : () -> ()
    "tpu.region"() ({
      %run_scoped3A = tpu.sem_alloc : memref<!tpu.dma_semaphore, #tpu.memory_space<semaphore_mem>>
      tpu.enqueue_dma source(%arg5 : memref<128x64xf32, #tpu.memory_space<hbm>>) target(%arg9 : memref<128x64xf32, #tpu.memory_space<vmem>>) target_semaphore(%run_scoped3A : memref<!tpu.dma_semaphore, #tpu.memory_space<semaphore_mem>>)
      tpu.wait_dma2 semaphore(%run_scoped3A : memref<!tpu.dma_semaphore, #tpu.memory_space<semaphore_mem>>) src(%arg5 : memref<128x64xf32, #tpu.memory_space<hbm>>) dst(%arg9 : memref<128x64xf32, #tpu.memory_space<vmem>>)
      tpu.yield
    }) : () -> ()
    %mul3A_5 = arith.constant 640 : i32
    %mul3A_6 = arith.muli %arg1, %mul3A_5 : i32
    %add3A = arith.constant 0 : i32
    %add3A_7 = arith.addi %mul3A_6, %add3A : i32
    "tpu.region"() ({
      %run_scoped3A = tpu.sem_alloc : memref<!tpu.dma_semaphore, #tpu.memory_space<semaphore_mem>>
      %dma_start3A = arith.constant 0 : i32
      %dma_start3A_34 = tpu.memref_slice %arg14[%add3A_7, %dma_start3A] : memref<10240x64xf32, #tpu.memory_space<vmem_shared>> -> memref<128x64xf32, #tpu.memory_space<vmem_shared>>
      %dma_start3A_35 = arith.constant 0 : i32
      %dma_start3A_36 = tpu.memref_slice %arg14[%add3A_7, %dma_start3A_35] : memref<10240x64xf32, #tpu.memory_space<vmem_shared>> -> memref<128x64xf32, #tpu.memory_space<vmem_shared>>
      tpu.enqueue_dma source(%arg9 : memref<128x64xf32, #tpu.memory_space<vmem>>) target(%dma_start3A_36 : memref<128x64xf32, #tpu.memory_space<vmem_shared>>) target_semaphore(%run_scoped3A : memref<!tpu.dma_semaphore, #tpu.memory_space<semaphore_mem>>)
      %dma_wait3A = arith.constant 0 : i32
      %dma_wait3A_37 = tpu.memref_slice %arg14[%add3A_7, %dma_wait3A] : memref<10240x64xf32, #tpu.memory_space<vmem_shared>> -> memref<128x64xf32, #tpu.memory_space<vmem_shared>>
      %dma_wait3A_38 = arith.constant 0 : i32
      %dma_wait3A_39 = tpu.memref_slice %arg14[%add3A_7, %dma_wait3A_38] : memref<10240x64xf32, #tpu.memory_space<vmem_shared>> -> memref<128x64xf32, #tpu.memory_space<vmem_shared>>
      tpu.wait_dma2 semaphore(%run_scoped3A : memref<!tpu.dma_semaphore, #tpu.memory_space<semaphore_mem>>) src(%arg9 : memref<128x64xf32, #tpu.memory_space<vmem>>) dst(%dma_wait3A_39 : memref<128x64xf32, #tpu.memory_space<vmem_shared>>)
      tpu.yield
    }) : () -> ()
    %mul3A_8 = arith.constant 640 : i32
    %mul3A_9 = arith.muli %arg1, %mul3A_8 : i32
    %add3A_10 = arith.constant 128 : i32
    %add3A_11 = arith.addi %mul3A_9, %add3A_10 : i32
    "tpu.region"() ({
      %run_scoped3A = tpu.sem_alloc : memref<!tpu.dma_semaphore, #tpu.memory_space<semaphore_mem>>
      %dma_start3A = arith.constant 0 : i32
      %dma_start3A_34 = tpu.memref_slice %arg14[%add3A_11, %dma_start3A] : memref<10240x64xf32, #tpu.memory_space<vmem_shared>> -> memref<128x64xf32, #tpu.memory_space<vmem_shared>>
      %dma_start3A_35 = arith.constant 0 : i32
      %dma_start3A_36 = tpu.memref_slice %arg14[%add3A_11, %dma_start3A_35] : memref<10240x64xf32, #tpu.memory_space<vmem_shared>> -> memref<128x64xf32, #tpu.memory_space<vmem_shared>>
      tpu.enqueue_dma source(%arg9 : memref<128x64xf32, #tpu.memory_space<vmem>>) target(%dma_start3A_36 : memref<128x64xf32, #tpu.memory_space<vmem_shared>>) target_semaphore(%run_scoped3A : memref<!tpu.dma_semaphore, #tpu.memory_space<semaphore_mem>>)
      %dma_wait3A = arith.constant 0 : i32
      %dma_wait3A_37 = tpu.memref_slice %arg14[%add3A_11, %dma_wait3A] : memref<10240x64xf32, #tpu.memory_space<vmem_shared>> -> memref<128x64xf32, #tpu.memory_space<vmem_shared>>
      %dma_wait3A_38 = arith.constant 0 : i32
      %dma_wait3A_39 = tpu.memref_slice %arg14[%add3A_11, %dma_wait3A_38] : memref<10240x64xf32, #tpu.memory_space<vmem_shared>> -> memref<128x64xf32, #tpu.memory_space<vmem_shared>>
      tpu.wait_dma2 semaphore(%run_scoped3A : memref<!tpu.dma_semaphore, #tpu.memory_space<semaphore_mem>>) src(%arg9 : memref<128x64xf32, #tpu.memory_space<vmem>>) dst(%dma_wait3A_39 : memref<128x64xf32, #tpu.memory_space<vmem_shared>>)
      tpu.yield
    }) : () -> ()
    %mul3A_12 = arith.constant 640 : i32
    %mul3A_13 = arith.muli %arg1, %mul3A_12 : i32
    %add3A_14 = arith.constant 256 : i32
    %add3A_15 = arith.addi %mul3A_13, %add3A_14 : i32
    "tpu.region"() ({
      %run_scoped3A = tpu.sem_alloc : memref<!tpu.dma_semaphore, #tpu.memory_space<semaphore_mem>>
      %dma_start3A = arith.constant 0 : i32
      %dma_start3A_34 = tpu.memref_slice %arg14[%add3A_15, %dma_start3A] : memref<10240x64xf32, #tpu.memory_space<vmem_shared>> -> memref<128x64xf32, #tpu.memory_space<vmem_shared>>
      %dma_start3A_35 = arith.constant 0 : i32
      %dma_start3A_36 = tpu.memref_slice %arg14[%add3A_15, %dma_start3A_35] : memref<10240x64xf32, #tpu.memory_space<vmem_shared>> -> memref<128x64xf32, #tpu.memory_space<vmem_shared>>
      tpu.enqueue_dma source(%arg9 : memref<128x64xf32, #tpu.memory_space<vmem>>) target(%dma_start3A_36 : memref<128x64xf32, #tpu.memory_space<vmem_shared>>) target_semaphore(%run_scoped3A : memref<!tpu.dma_semaphore, #tpu.memory_space<semaphore_mem>>)
      %dma_wait3A = arith.constant 0 : i32
      %dma_wait3A_37 = tpu.memref_slice %arg14[%add3A_15, %dma_wait3A] : memref<10240x64xf32, #tpu.memory_space<vmem_shared>> -> memref<128x64xf32, #tpu.memory_space<vmem_shared>>
      %dma_wait3A_38 = arith.constant 0 : i32
      %dma_wait3A_39 = tpu.memref_slice %arg14[%add3A_15, %dma_wait3A_38] : memref<10240x64xf32, #tpu.memory_space<vmem_shared>> -> memref<128x64xf32, #tpu.memory_space<vmem_shared>>
      tpu.wait_dma2 semaphore(%run_scoped3A : memref<!tpu.dma_semaphore, #tpu.memory_space<semaphore_mem>>) src(%arg9 : memref<128x64xf32, #tpu.memory_space<vmem>>) dst(%dma_wait3A_39 : memref<128x64xf32, #tpu.memory_space<vmem_shared>>)
      tpu.yield
    }) : () -> ()
    %mul3A_16 = arith.constant 640 : i32
    %mul3A_17 = arith.muli %arg1, %mul3A_16 : i32
    %add3A_18 = arith.constant 384 : i32
    %add3A_19 = arith.addi %mul3A_17, %add3A_18 : i32
    "tpu.region"() ({
      %run_scoped3A = tpu.sem_alloc : memref<!tpu.dma_semaphore, #tpu.memory_space<semaphore_mem>>
      %dma_start3A = arith.constant 0 : i32
      %dma_start3A_34 = tpu.memref_slice %arg14[%add3A_19, %dma_start3A] : memref<10240x64xf32, #tpu.memory_space<vmem_shared>> -> memref<128x64xf32, #tpu.memory_space<vmem_shared>>
      %dma_start3A_35 = arith.constant 0 : i32
      %dma_start3A_36 = tpu.memref_slice %arg14[%add3A_19, %dma_start3A_35] : memref<10240x64xf32, #tpu.memory_space<vmem_shared>> -> memref<128x64xf32, #tpu.memory_space<vmem_shared>>
      tpu.enqueue_dma source(%arg9 : memref<128x64xf32, #tpu.memory_space<vmem>>) target(%dma_start3A_36 : memref<128x64xf32, #tpu.memory_space<vmem_shared>>) target_semaphore(%run_scoped3A : memref<!tpu.dma_semaphore, #tpu.memory_space<semaphore_mem>>)
      %dma_wait3A = arith.constant 0 : i32
      %dma_wait3A_37 = tpu.memref_slice %arg14[%add3A_19, %dma_wait3A] : memref<10240x64xf32, #tpu.memory_space<vmem_shared>> -> memref<128x64xf32, #tpu.memory_space<vmem_shared>>
      %dma_wait3A_38 = arith.constant 0 : i32
      %dma_wait3A_39 = tpu.memref_slice %arg14[%add3A_19, %dma_wait3A_38] : memref<10240x64xf32, #tpu.memory_space<vmem_shared>> -> memref<128x64xf32, #tpu.memory_space<vmem_shared>>
      tpu.wait_dma2 semaphore(%run_scoped3A : memref<!tpu.dma_semaphore, #tpu.memory_space<semaphore_mem>>) src(%arg9 : memref<128x64xf32, #tpu.memory_space<vmem>>) dst(%dma_wait3A_39 : memref<128x64xf32, #tpu.memory_space<vmem_shared>>)
      tpu.yield
    }) : () -> ()
    %mul3A_20 = arith.constant 640 : i32
    %mul3A_21 = arith.muli %arg1, %mul3A_20 : i32
    %add3A_22 = arith.constant 512 : i32
    %add3A_23 = arith.addi %mul3A_21, %add3A_22 : i32
    "tpu.region"() ({
      %run_scoped3A = tpu.sem_alloc : memref<!tpu.dma_semaphore, #tpu.memory_space<semaphore_mem>>
      %dma_start3A = arith.constant 0 : i32
      %dma_start3A_34 = tpu.memref_slice %arg14[%add3A_23, %dma_start3A] : memref<10240x64xf32, #tpu.memory_space<vmem_shared>> -> memref<128x64xf32, #tpu.memory_space<vmem_shared>>
      %dma_start3A_35 = arith.constant 0 : i32
      %dma_start3A_36 = tpu.memref_slice %arg14[%add3A_23, %dma_start3A_35] : memref<10240x64xf32, #tpu.memory_space<vmem_shared>> -> memref<128x64xf32, #tpu.memory_space<vmem_shared>>
      tpu.enqueue_dma source(%arg9 : memref<128x64xf32, #tpu.memory_space<vmem>>) target(%dma_start3A_36 : memref<128x64xf32, #tpu.memory_space<vmem_shared>>) target_semaphore(%run_scoped3A : memref<!tpu.dma_semaphore, #tpu.memory_space<semaphore_mem>>)
      %dma_wait3A = arith.constant 0 : i32
      %dma_wait3A_37 = tpu.memref_slice %arg14[%add3A_23, %dma_wait3A] : memref<10240x64xf32, #tpu.memory_space<vmem_shared>> -> memref<128x64xf32, #tpu.memory_space<vmem_shared>>
      %dma_wait3A_38 = arith.constant 0 : i32
      %dma_wait3A_39 = tpu.memref_slice %arg14[%add3A_23, %dma_wait3A_38] : memref<10240x64xf32, #tpu.memory_space<vmem_shared>> -> memref<128x64xf32, #tpu.memory_space<vmem_shared>>
      tpu.wait_dma2 semaphore(%run_scoped3A : memref<!tpu.dma_semaphore, #tpu.memory_space<semaphore_mem>>) src(%arg9 : memref<128x64xf32, #tpu.memory_space<vmem>>) dst(%dma_wait3A_39 : memref<128x64xf32, #tpu.memory_space<vmem_shared>>)
      tpu.yield
    }) : () -> ()
    %barrier3A = arith.constant 0 : index
    tpu.barrier barrier_id(%barrier3A)
    %scan3A = arith.constant 0 : i32
    %scan3A_24 = arith.constant 0 : i32
    %scan3A_25 = arith.constant 10 : i32
    %scan3A_26 = arith.addi %scan3A_24, %scan3A_25 : i32
    %scan3A_27 = arith.constant 1 : i32
    scf.for %scan3A_34 = %scan3A_24 to %scan3A_26 step %scan3A_27  : i32 {
      %mul3A_35 = arith.constant 160 : i32
      %mul3A_36 = arith.muli %arg1, %mul3A_35 : i32
      %mul3A_37 = arith.constant 16 : i32
      %mul3A_38 = arith.muli %scan3A_34, %mul3A_37 : i32
      %add3A_39 = arith.addi %mul3A_36, %mul3A_38 : i32
      "tpu.region"() ({
        %run_scoped3A = tpu.sem_alloc : memref<!tpu.dma_semaphore, #tpu.memory_space<semaphore_mem>>
        %dma_start3A_156 = arith.constant 0 : i32
        %dma_start3A_157 = tpu.memref_slice %arg3[%add3A_39, %dma_start3A_156] : memref<2560x128xi32, #tpu.memory_space<hbm>> -> memref<16x128xi32, #tpu.memory_space<hbm>>
        %dma_start3A_158 = arith.constant 0 : i32
        %dma_start3A_159 = tpu.memref_slice %arg3[%add3A_39, %dma_start3A_158] : memref<2560x128xi32, #tpu.memory_space<hbm>> -> memref<16x128xi32, #tpu.memory_space<hbm>>
        tpu.enqueue_dma source(%dma_start3A_159 : memref<16x128xi32, #tpu.memory_space<hbm>>) target(%arg7 : memref<16x128xi32, #tpu.memory_space<vmem>>) target_semaphore(%run_scoped3A : memref<!tpu.dma_semaphore, #tpu.memory_space<semaphore_mem>>)
        %dma_wait3A_160 = arith.constant 0 : i32
        %dma_wait3A_161 = tpu.memref_slice %arg3[%add3A_39, %dma_wait3A_160] : memref<2560x128xi32, #tpu.memory_space<hbm>> -> memref<16x128xi32, #tpu.memory_space<hbm>>
        %dma_wait3A_162 = arith.constant 0 : i32
        %dma_wait3A_163 = tpu.memref_slice %arg3[%add3A_39, %dma_wait3A_162] : memref<2560x128xi32, #tpu.memory_space<hbm>> -> memref<16x128xi32, #tpu.memory_space<hbm>>
        tpu.wait_dma2 semaphore(%run_scoped3A : memref<!tpu.dma_semaphore, #tpu.memory_space<semaphore_mem>>) src(%dma_wait3A_163 : memref<16x128xi32, #tpu.memory_space<hbm>>) dst(%arg7 : memref<16x128xi32, #tpu.memory_space<vmem>>)
        tpu.yield
      }) : () -> ()
      "tpu.region"() ({
        %run_scoped3A = tpu.sem_alloc : memref<!tpu.dma_semaphore, #tpu.memory_space<semaphore_mem>>
        %dma_start3A_156 = arith.constant 0 : i32
        %dma_start3A_157 = tpu.memref_slice %arg4[%add3A_39, %dma_start3A_156] : memref<2560x128xi32, #tpu.memory_space<hbm>> -> memref<16x128xi32, #tpu.memory_space<hbm>>
        %dma_start3A_158 = arith.constant 0 : i32
        %dma_start3A_159 = tpu.memref_slice %arg4[%add3A_39, %dma_start3A_158] : memref<2560x128xi32, #tpu.memory_space<hbm>> -> memref<16x128xi32, #tpu.memory_space<hbm>>
        tpu.enqueue_dma source(%dma_start3A_159 : memref<16x128xi32, #tpu.memory_space<hbm>>) target(%arg8 : memref<16x128xi32, #tpu.memory_space<vmem>>) target_semaphore(%run_scoped3A : memref<!tpu.dma_semaphore, #tpu.memory_space<semaphore_mem>>)
        %dma_wait3A_160 = arith.constant 0 : i32
        %dma_wait3A_161 = tpu.memref_slice %arg4[%add3A_39, %dma_wait3A_160] : memref<2560x128xi32, #tpu.memory_space<hbm>> -> memref<16x128xi32, #tpu.memory_space<hbm>>
        %dma_wait3A_162 = arith.constant 0 : i32
        %dma_wait3A_163 = tpu.memref_slice %arg4[%add3A_39, %dma_wait3A_162] : memref<2560x128xi32, #tpu.memory_space<hbm>> -> memref<16x128xi32, #tpu.memory_space<hbm>>
        tpu.wait_dma2 semaphore(%run_scoped3A : memref<!tpu.dma_semaphore, #tpu.memory_space<semaphore_mem>>) src(%dma_wait3A_163 : memref<16x128xi32, #tpu.memory_space<hbm>>) dst(%arg8 : memref<16x128xi32, #tpu.memory_space<vmem>>)
        tpu.yield
      }) : () -> ()
      %dma_start3A = arith.constant 0 : i32
      %dma_start3A_40 = arith.constant 0 : i32
      %dma_start3A_41 = tpu.memref_slice %arg7[%dma_start3A, %dma_start3A_40] : memref<16x128xi32, #tpu.memory_space<vmem>> -> memref<1x128xi32, #tpu.memory_space<vmem>>
      %dma_start3A_42 = tpu.memref_squeeze %dma_start3A_41 : memref<1x128xi32, #tpu.memory_space<vmem>> -> memref<128xi32, #tpu.memory_space<vmem>>
      %dma_start3A_43 = arith.constant 0 : i32
      %dma_start3A_44 = arith.constant 0 : i32
      %dma_start3A_45 = tpu.memref_slice %arg13[%dma_start3A_43, %dma_start3A_44] : memref<10000x64xf32, #tpu.memory_space<vmem_shared>> -> memref<10000x64xf32, #tpu.memory_space<vmem_shared>>
      tpu.enqueue_indirect_dma source(%dma_start3A_45 : memref<10000x64xf32, #tpu.memory_space<vmem_shared>>) target(%arg9 : memref<128x64xf32, #tpu.memory_space<vmem>>) offsets(%dma_start3A_42 : memref<128xi32, #tpu.memory_space<vmem>>) semaphore(%arg15 : memref<!tpu.dma_semaphore, #tpu.memory_space<semaphore_mem>>)
      %dma_start3A_46 = arith.constant 1 : i32
      %dma_start3A_47 = arith.constant 0 : i32
      %dma_start3A_48 = tpu.memref_slice %arg7[%dma_start3A_46, %dma_start3A_47] : memref<16x128xi32, #tpu.memory_space<vmem>> -> memref<1x128xi32, #tpu.memory_space<vmem>>
      %dma_start3A_49 = tpu.memref_squeeze %dma_start3A_48 : memref<1x128xi32, #tpu.memory_space<vmem>> -> memref<128xi32, #tpu.memory_space<vmem>>
      %dma_start3A_50 = arith.constant 0 : i32
      %dma_start3A_51 = arith.constant 0 : i32
      %dma_start3A_52 = tpu.memref_slice %arg13[%dma_start3A_50, %dma_start3A_51] : memref<10000x64xf32, #tpu.memory_space<vmem_shared>> -> memref<10000x64xf32, #tpu.memory_space<vmem_shared>>
      tpu.enqueue_indirect_dma source(%dma_start3A_52 : memref<10000x64xf32, #tpu.memory_space<vmem_shared>>) target(%arg10 : memref<128x64xf32, #tpu.memory_space<vmem>>) offsets(%dma_start3A_49 : memref<128xi32, #tpu.memory_space<vmem>>) semaphore(%arg16 : memref<!tpu.dma_semaphore, #tpu.memory_space<semaphore_mem>>)
      %dma_wait3A = arith.constant 0 : i32
      %dma_wait3A_53 = arith.constant 0 : i32
      %dma_wait3A_54 = tpu.memref_slice %arg7[%dma_wait3A, %dma_wait3A_53] : memref<16x128xi32, #tpu.memory_space<vmem>> -> memref<1x128xi32, #tpu.memory_space<vmem>>
      %dma_wait3A_55 = tpu.memref_squeeze %dma_wait3A_54 : memref<1x128xi32, #tpu.memory_space<vmem>> -> memref<128xi32, #tpu.memory_space<vmem>>
      %dma_wait3A_56 = arith.constant 0 : i32
      %dma_wait3A_57 = arith.constant 0 : i32
      %dma_wait3A_58 = tpu.memref_slice %arg13[%dma_wait3A_56, %dma_wait3A_57] : memref<10000x64xf32, #tpu.memory_space<vmem_shared>> -> memref<10000x64xf32, #tpu.memory_space<vmem_shared>>
      tpu.wait_indirect_dma semaphore(%arg15 : memref<!tpu.dma_semaphore, #tpu.memory_space<semaphore_mem>>) src(%dma_wait3A_58 : memref<10000x64xf32, #tpu.memory_space<vmem_shared>>) dst(%arg9 : memref<128x64xf32, #tpu.memory_space<vmem>>)
      %dma_start3A_59 = arith.constant 0 : i32
      %dma_start3A_60 = arith.constant 0 : i32
      %dma_start3A_61 = tpu.memref_slice %arg8[%dma_start3A_59, %dma_start3A_60] : memref<16x128xi32, #tpu.memory_space<vmem>> -> memref<1x128xi32, #tpu.memory_space<vmem>>
      %dma_start3A_62 = tpu.memref_squeeze %dma_start3A_61 : memref<1x128xi32, #tpu.memory_space<vmem>> -> memref<128xi32, #tpu.memory_space<vmem>>
      %dma_start3A_63 = arith.constant 0 : i32
      %dma_start3A_64 = arith.constant 0 : i32
      %dma_start3A_65 = tpu.memref_slice %arg14[%dma_start3A_63, %dma_start3A_64] : memref<10240x64xf32, #tpu.memory_space<vmem_shared>> -> memref<10240x64xf32, #tpu.memory_space<vmem_shared>>
      tpu.enqueue_indirect_dma source(%arg9 : memref<128x64xf32, #tpu.memory_space<vmem>>) target(%dma_start3A_65 : memref<10240x64xf32, #tpu.memory_space<vmem_shared>>) offsets(%dma_start3A_62 : memref<128xi32, #tpu.memory_space<vmem>>) semaphore(%arg19 : memref<!tpu.dma_semaphore, #tpu.memory_space<semaphore_mem>>) {add = true}
      %dma_start3A_66 = arith.constant 2 : i32
      %dma_start3A_67 = arith.constant 0 : i32
      %dma_start3A_68 = tpu.memref_slice %arg7[%dma_start3A_66, %dma_start3A_67] : memref<16x128xi32, #tpu.memory_space<vmem>> -> memref<1x128xi32, #tpu.memory_space<vmem>>
      %dma_start3A_69 = tpu.memref_squeeze %dma_start3A_68 : memref<1x128xi32, #tpu.memory_space<vmem>> -> memref<128xi32, #tpu.memory_space<vmem>>
      %dma_start3A_70 = arith.constant 0 : i32
      %dma_start3A_71 = arith.constant 0 : i32
      %dma_start3A_72 = tpu.memref_slice %arg13[%dma_start3A_70, %dma_start3A_71] : memref<10000x64xf32, #tpu.memory_space<vmem_shared>> -> memref<10000x64xf32, #tpu.memory_space<vmem_shared>>
      tpu.enqueue_indirect_dma source(%dma_start3A_72 : memref<10000x64xf32, #tpu.memory_space<vmem_shared>>) target(%arg11 : memref<128x64xf32, #tpu.memory_space<vmem>>) offsets(%dma_start3A_69 : memref<128xi32, #tpu.memory_space<vmem>>) semaphore(%arg17 : memref<!tpu.dma_semaphore, #tpu.memory_space<semaphore_mem>>)
      %dma_wait3A_73 = arith.constant 1 : i32
      %dma_wait3A_74 = arith.constant 0 : i32
      %dma_wait3A_75 = tpu.memref_slice %arg7[%dma_wait3A_73, %dma_wait3A_74] : memref<16x128xi32, #tpu.memory_space<vmem>> -> memref<1x128xi32, #tpu.memory_space<vmem>>
      %dma_wait3A_76 = tpu.memref_squeeze %dma_wait3A_75 : memref<1x128xi32, #tpu.memory_space<vmem>> -> memref<128xi32, #tpu.memory_space<vmem>>
      %dma_wait3A_77 = arith.constant 0 : i32
      %dma_wait3A_78 = arith.constant 0 : i32
      %dma_wait3A_79 = tpu.memref_slice %arg13[%dma_wait3A_77, %dma_wait3A_78] : memref<10000x64xf32, #tpu.memory_space<vmem_shared>> -> memref<10000x64xf32, #tpu.memory_space<vmem_shared>>
      tpu.wait_indirect_dma semaphore(%arg16 : memref<!tpu.dma_semaphore, #tpu.memory_space<semaphore_mem>>) src(%dma_wait3A_79 : memref<10000x64xf32, #tpu.memory_space<vmem_shared>>) dst(%arg10 : memref<128x64xf32, #tpu.memory_space<vmem>>)
      %dma_start3A_80 = arith.constant 1 : i32
      %dma_start3A_81 = arith.constant 0 : i32
      %dma_start3A_82 = tpu.memref_slice %arg8[%dma_start3A_80, %dma_start3A_81] : memref<16x128xi32, #tpu.memory_space<vmem>> -> memref<1x128xi32, #tpu.memory_space<vmem>>
      %dma_start3A_83 = tpu.memref_squeeze %dma_start3A_82 : memref<1x128xi32, #tpu.memory_space<vmem>> -> memref<128xi32, #tpu.memory_space<vmem>>
      %dma_start3A_84 = arith.constant 0 : i32
      %dma_start3A_85 = arith.constant 0 : i32
      %dma_start3A_86 = tpu.memref_slice %arg14[%dma_start3A_84, %dma_start3A_85] : memref<10240x64xf32, #tpu.memory_space<vmem_shared>> -> memref<10240x64xf32, #tpu.memory_space<vmem_shared>>
      tpu.enqueue_indirect_dma source(%arg10 : memref<128x64xf32, #tpu.memory_space<vmem>>) target(%dma_start3A_86 : memref<10240x64xf32, #tpu.memory_space<vmem_shared>>) offsets(%dma_start3A_83 : memref<128xi32, #tpu.memory_space<vmem>>) semaphore(%arg20 : memref<!tpu.dma_semaphore, #tpu.memory_space<semaphore_mem>>) {add = true}
      %dma_start3A_87 = arith.constant 3 : i32
      %dma_start3A_88 = arith.constant 0 : i32
      %dma_start3A_89 = tpu.memref_slice %arg7[%dma_start3A_87, %dma_start3A_88] : memref<16x128xi32, #tpu.memory_space<vmem>> -> memref<1x128xi32, #tpu.memory_space<vmem>>
      %dma_start3A_90 = tpu.memref_squeeze %dma_start3A_89 : memref<1x128xi32, #tpu.memory_space<vmem>> -> memref<128xi32, #tpu.memory_space<vmem>>
      %dma_start3A_91 = arith.constant 0 : i32
      %dma_start3A_92 = arith.constant 0 : i32
      %dma_start3A_93 = tpu.memref_slice %arg13[%dma_start3A_91, %dma_start3A_92] : memref<10000x64xf32, #tpu.memory_space<vmem_shared>> -> memref<10000x64xf32, #tpu.memory_space<vmem_shared>>
      tpu.enqueue_indirect_dma source(%dma_start3A_93 : memref<10000x64xf32, #tpu.memory_space<vmem_shared>>) target(%arg12 : memref<128x64xf32, #tpu.memory_space<vmem>>) offsets(%dma_start3A_90 : memref<128xi32, #tpu.memory_space<vmem>>) semaphore(%arg18 : memref<!tpu.dma_semaphore, #tpu.memory_space<semaphore_mem>>)
      %scan3A_94 = arith.constant 0 : i32
      %scan3A_95 = arith.constant 0 : i32
      %scan3A_96 = arith.constant 3 : i32
      %scan3A_97 = arith.addi %scan3A_95, %scan3A_96 : i32
      %scan3A_98 = arith.constant 1 : i32
      scf.for %scan3A_156 = %scan3A_95 to %scan3A_97 step %scan3A_98  : i32 {
        %mul3A_157 = arith.constant 4 : i32
        %mul3A_158 = arith.muli %mul3A_157, %scan3A_156 : i32
        %add3A_159 = arith.constant 2 : i32
        %add3A_160 = arith.addi %mul3A_158, %add3A_159 : i32
        %add3A_161 = arith.constant 0 : i32
        %add3A_162 = arith.addi %add3A_160, %add3A_161 : i32
        %dma_wait3A_163 = arith.constant 0 : i32
        %dma_wait3A_164 = tpu.memref_slice %arg7[%add3A_162, %dma_wait3A_163] : memref<16x128xi32, #tpu.memory_space<vmem>> -> memref<1x128xi32, #tpu.memory_space<vmem>>
        %dma_wait3A_165 = tpu.memref_squeeze %dma_wait3A_164 : memref<1x128xi32, #tpu.memory_space<vmem>> -> memref<128xi32, #tpu.memory_space<vmem>>
        %dma_wait3A_166 = arith.constant 0 : i32
        %dma_wait3A_167 = arith.constant 0 : i32
        %dma_wait3A_168 = tpu.memref_slice %arg13[%dma_wait3A_166, %dma_wait3A_167] : memref<10000x64xf32, #tpu.memory_space<vmem_shared>> -> memref<10000x64xf32, #tpu.memory_space<vmem_shared>>
        tpu.wait_indirect_dma semaphore(%arg17 : memref<!tpu.dma_semaphore, #tpu.memory_space<semaphore_mem>>) src(%dma_wait3A_168 : memref<10000x64xf32, #tpu.memory_space<vmem_shared>>) dst(%arg11 : memref<128x64xf32, #tpu.memory_space<vmem>>)
        %dma_start3A_169 = arith.constant 0 : i32
        %dma_start3A_170 = tpu.memref_slice %arg8[%add3A_162, %dma_start3A_169] : memref<16x128xi32, #tpu.memory_space<vmem>> -> memref<1x128xi32, #tpu.memory_space<vmem>>
        %dma_start3A_171 = tpu.memref_squeeze %dma_start3A_170 : memref<1x128xi32, #tpu.memory_space<vmem>> -> memref<128xi32, #tpu.memory_space<vmem>>
        %dma_start3A_172 = arith.constant 0 : i32
        %dma_start3A_173 = arith.constant 0 : i32
        %dma_start3A_174 = tpu.memref_slice %arg14[%dma_start3A_172, %dma_start3A_173] : memref<10240x64xf32, #tpu.memory_space<vmem_shared>> -> memref<10240x64xf32, #tpu.memory_space<vmem_shared>>
        tpu.enqueue_indirect_dma source(%arg11 : memref<128x64xf32, #tpu.memory_space<vmem>>) target(%dma_start3A_174 : memref<10240x64xf32, #tpu.memory_space<vmem_shared>>) offsets(%dma_start3A_171 : memref<128xi32, #tpu.memory_space<vmem>>) semaphore(%arg21 : memref<!tpu.dma_semaphore, #tpu.memory_space<semaphore_mem>>) {add = true}
        %dma_wait3A_175 = arith.constant 0 : i32
        %dma_wait3A_176 = arith.constant 0 : i32
        %dma_wait3A_177 = tpu.memref_slice %arg8[%dma_wait3A_175, %dma_wait3A_176] : memref<16x128xi32, #tpu.memory_space<vmem>> -> memref<1x128xi32, #tpu.memory_space<vmem>>
        %dma_wait3A_178 = tpu.memref_squeeze %dma_wait3A_177 : memref<1x128xi32, #tpu.memory_space<vmem>> -> memref<128xi32, #tpu.memory_space<vmem>>
        %dma_wait3A_179 = arith.constant 0 : i32
        %dma_wait3A_180 = arith.constant 0 : i32
        %dma_wait3A_181 = tpu.memref_slice %arg14[%dma_wait3A_179, %dma_wait3A_180] : memref<10240x64xf32, #tpu.memory_space<vmem_shared>> -> memref<10240x64xf32, #tpu.memory_space<vmem_shared>>
        tpu.wait_indirect_dma semaphore(%arg19 : memref<!tpu.dma_semaphore, #tpu.memory_space<semaphore_mem>>) src(%arg9 : memref<128x64xf32, #tpu.memory_space<vmem>>) dst(%dma_wait3A_181 : memref<10240x64xf32, #tpu.memory_space<vmem_shared>>)
        %add3A_182 = arith.constant 2 : i32
        %add3A_183 = arith.addi %add3A_162, %add3A_182 : i32
        %dma_start3A_184 = arith.constant 0 : i32
        %dma_start3A_185 = tpu.memref_slice %arg7[%add3A_183, %dma_start3A_184] : memref<16x128xi32, #tpu.memory_space<vmem>> -> memref<1x128xi32, #tpu.memory_space<vmem>>
        %dma_start3A_186 = tpu.memref_squeeze %dma_start3A_185 : memref<1x128xi32, #tpu.memory_space<vmem>> -> memref<128xi32, #tpu.memory_space<vmem>>
        %dma_start3A_187 = arith.constant 0 : i32
        %dma_start3A_188 = arith.constant 0 : i32
        %dma_start3A_189 = tpu.memref_slice %arg13[%dma_start3A_187, %dma_start3A_188] : memref<10000x64xf32, #tpu.memory_space<vmem_shared>> -> memref<10000x64xf32, #tpu.memory_space<vmem_shared>>
        tpu.enqueue_indirect_dma source(%dma_start3A_189 : memref<10000x64xf32, #tpu.memory_space<vmem_shared>>) target(%arg9 : memref<128x64xf32, #tpu.memory_space<vmem>>) offsets(%dma_start3A_186 : memref<128xi32, #tpu.memory_space<vmem>>) semaphore(%arg15 : memref<!tpu.dma_semaphore, #tpu.memory_space<semaphore_mem>>)
        %mul3A_190 = arith.constant 4 : i32
        %mul3A_191 = arith.muli %mul3A_190, %scan3A_156 : i32
        %add3A_192 = arith.constant 2 : i32
        %add3A_193 = arith.addi %mul3A_191, %add3A_192 : i32
        %add3A_194 = arith.constant 1 : i32
        %add3A_195 = arith.addi %add3A_193, %add3A_194 : i32
        %dma_wait3A_196 = arith.constant 0 : i32
        %dma_wait3A_197 = tpu.memref_slice %arg7[%add3A_195, %dma_wait3A_196] : memref<16x128xi32, #tpu.memory_space<vmem>> -> memref<1x128xi32, #tpu.memory_space<vmem>>
        %dma_wait3A_198 = tpu.memref_squeeze %dma_wait3A_197 : memref<1x128xi32, #tpu.memory_space<vmem>> -> memref<128xi32, #tpu.memory_space<vmem>>
        %dma_wait3A_199 = arith.constant 0 : i32
        %dma_wait3A_200 = arith.constant 0 : i32
        %dma_wait3A_201 = tpu.memref_slice %arg13[%dma_wait3A_199, %dma_wait3A_200] : memref<10000x64xf32, #tpu.memory_space<vmem_shared>> -> memref<10000x64xf32, #tpu.memory_space<vmem_shared>>
        tpu.wait_indirect_dma semaphore(%arg18 : memref<!tpu.dma_semaphore, #tpu.memory_space<semaphore_mem>>) src(%dma_wait3A_201 : memref<10000x64xf32, #tpu.memory_space<vmem_shared>>) dst(%arg12 : memref<128x64xf32, #tpu.memory_space<vmem>>)
        %dma_start3A_202 = arith.constant 0 : i32
        %dma_start3A_203 = tpu.memref_slice %arg8[%add3A_195, %dma_start3A_202] : memref<16x128xi32, #tpu.memory_space<vmem>> -> memref<1x128xi32, #tpu.memory_space<vmem>>
        %dma_start3A_204 = tpu.memref_squeeze %dma_start3A_203 : memref<1x128xi32, #tpu.memory_space<vmem>> -> memref<128xi32, #tpu.memory_space<vmem>>
        %dma_start3A_205 = arith.constant 0 : i32
        %dma_start3A_206 = arith.constant 0 : i32
        %dma_start3A_207 = tpu.memref_slice %arg14[%dma_start3A_205, %dma_start3A_206] : memref<10240x64xf32, #tpu.memory_space<vmem_shared>> -> memref<10240x64xf32, #tpu.memory_space<vmem_shared>>
        tpu.enqueue_indirect_dma source(%arg12 : memref<128x64xf32, #tpu.memory_space<vmem>>) target(%dma_start3A_207 : memref<10240x64xf32, #tpu.memory_space<vmem_shared>>) offsets(%dma_start3A_204 : memref<128xi32, #tpu.memory_space<vmem>>) semaphore(%arg22 : memref<!tpu.dma_semaphore, #tpu.memory_space<semaphore_mem>>) {add = true}
        %dma_wait3A_208 = arith.constant 0 : i32
        %dma_wait3A_209 = arith.constant 0 : i32
        %dma_wait3A_210 = tpu.memref_slice %arg8[%dma_wait3A_208, %dma_wait3A_209] : memref<16x128xi32, #tpu.memory_space<vmem>> -> memref<1x128xi32, #tpu.memory_space<vmem>>
        %dma_wait3A_211 = tpu.memref_squeeze %dma_wait3A_210 : memref<1x128xi32, #tpu.memory_space<vmem>> -> memref<128xi32, #tpu.memory_space<vmem>>
        %dma_wait3A_212 = arith.constant 0 : i32
        %dma_wait3A_213 = arith.constant 0 : i32
        %dma_wait3A_214 = tpu.memref_slice %arg14[%dma_wait3A_212, %dma_wait3A_213] : memref<10240x64xf32, #tpu.memory_space<vmem_shared>> -> memref<10240x64xf32, #tpu.memory_space<vmem_shared>>
        tpu.wait_indirect_dma semaphore(%arg20 : memref<!tpu.dma_semaphore, #tpu.memory_space<semaphore_mem>>) src(%arg10 : memref<128x64xf32, #tpu.memory_space<vmem>>) dst(%dma_wait3A_214 : memref<10240x64xf32, #tpu.memory_space<vmem_shared>>)
        %add3A_215 = arith.constant 2 : i32
        %add3A_216 = arith.addi %add3A_195, %add3A_215 : i32
        %dma_start3A_217 = arith.constant 0 : i32
        %dma_start3A_218 = tpu.memref_slice %arg7[%add3A_216, %dma_start3A_217] : memref<16x128xi32, #tpu.memory_space<vmem>> -> memref<1x128xi32, #tpu.memory_space<vmem>>
        %dma_start3A_219 = tpu.memref_squeeze %dma_start3A_218 : memref<1x128xi32, #tpu.memory_space<vmem>> -> memref<128xi32, #tpu.memory_space<vmem>>
        %dma_start3A_220 = arith.constant 0 : i32
        %dma_start3A_221 = arith.constant 0 : i32
        %dma_start3A_222 = tpu.memref_slice %arg13[%dma_start3A_220, %dma_start3A_221] : memref<10000x64xf32, #tpu.memory_space<vmem_shared>> -> memref<10000x64xf32, #tpu.memory_space<vmem_shared>>
        tpu.enqueue_indirect_dma source(%dma_start3A_222 : memref<10000x64xf32, #tpu.memory_space<vmem_shared>>) target(%arg10 : memref<128x64xf32, #tpu.memory_space<vmem>>) offsets(%dma_start3A_219 : memref<128xi32, #tpu.memory_space<vmem>>) semaphore(%arg16 : memref<!tpu.dma_semaphore, #tpu.memory_space<semaphore_mem>>)
        %mul3A_223 = arith.constant 4 : i32
        %mul3A_224 = arith.muli %mul3A_223, %scan3A_156 : i32
        %add3A_225 = arith.constant 2 : i32
        %add3A_226 = arith.addi %mul3A_224, %add3A_225 : i32
        %add3A_227 = arith.constant 2 : i32
        %add3A_228 = arith.addi %add3A_226, %add3A_227 : i32
        %dma_wait3A_229 = arith.constant 0 : i32
        %dma_wait3A_230 = tpu.memref_slice %arg7[%add3A_228, %dma_wait3A_229] : memref<16x128xi32, #tpu.memory_space<vmem>> -> memref<1x128xi32, #tpu.memory_space<vmem>>
        %dma_wait3A_231 = tpu.memref_squeeze %dma_wait3A_230 : memref<1x128xi32, #tpu.memory_space<vmem>> -> memref<128xi32, #tpu.memory_space<vmem>>
        %dma_wait3A_232 = arith.constant 0 : i32
        %dma_wait3A_233 = arith.constant 0 : i32
        %dma_wait3A_234 = tpu.memref_slice %arg13[%dma_wait3A_232, %dma_wait3A_233] : memref<10000x64xf32, #tpu.memory_space<vmem_shared>> -> memref<10000x64xf32, #tpu.memory_space<vmem_shared>>
        tpu.wait_indirect_dma semaphore(%arg15 : memref<!tpu.dma_semaphore, #tpu.memory_space<semaphore_mem>>) src(%dma_wait3A_234 : memref<10000x64xf32, #tpu.memory_space<vmem_shared>>) dst(%arg9 : memref<128x64xf32, #tpu.memory_space<vmem>>)
        %dma_start3A_235 = arith.constant 0 : i32
        %dma_start3A_236 = tpu.memref_slice %arg8[%add3A_228, %dma_start3A_235] : memref<16x128xi32, #tpu.memory_space<vmem>> -> memref<1x128xi32, #tpu.memory_space<vmem>>
        %dma_start3A_237 = tpu.memref_squeeze %dma_start3A_236 : memref<1x128xi32, #tpu.memory_space<vmem>> -> memref<128xi32, #tpu.memory_space<vmem>>
        %dma_start3A_238 = arith.constant 0 : i32
        %dma_start3A_239 = arith.constant 0 : i32
        %dma_start3A_240 = tpu.memref_slice %arg14[%dma_start3A_238, %dma_start3A_239] : memref<10240x64xf32, #tpu.memory_space<vmem_shared>> -> memref<10240x64xf32, #tpu.memory_space<vmem_shared>>
        tpu.enqueue_indirect_dma source(%arg9 : memref<128x64xf32, #tpu.memory_space<vmem>>) target(%dma_start3A_240 : memref<10240x64xf32, #tpu.memory_space<vmem_shared>>) offsets(%dma_start3A_237 : memref<128xi32, #tpu.memory_space<vmem>>) semaphore(%arg19 : memref<!tpu.dma_semaphore, #tpu.memory_space<semaphore_mem>>) {add = true}
        %dma_wait3A_241 = arith.constant 0 : i32
        %dma_wait3A_242 = arith.constant 0 : i32
        %dma_wait3A_243 = tpu.memref_slice %arg8[%dma_wait3A_241, %dma_wait3A_242] : memref<16x128xi32, #tpu.memory_space<vmem>> -> memref<1x128xi32, #tpu.memory_space<vmem>>
        %dma_wait3A_244 = tpu.memref_squeeze %dma_wait3A_243 : memref<1x128xi32, #tpu.memory_space<vmem>> -> memref<128xi32, #tpu.memory_space<vmem>>
        %dma_wait3A_245 = arith.constant 0 : i32
        %dma_wait3A_246 = arith.constant 0 : i32
        %dma_wait3A_247 = tpu.memref_slice %arg14[%dma_wait3A_245, %dma_wait3A_246] : memref<10240x64xf32, #tpu.memory_space<vmem_shared>> -> memref<10240x64xf32, #tpu.memory_space<vmem_shared>>
        tpu.wait_indirect_dma semaphore(%arg21 : memref<!tpu.dma_semaphore, #tpu.memory_space<semaphore_mem>>) src(%arg11 : memref<128x64xf32, #tpu.memory_space<vmem>>) dst(%dma_wait3A_247 : memref<10240x64xf32, #tpu.memory_space<vmem_shared>>)
        %add3A_248 = arith.constant 2 : i32
        %add3A_249 = arith.addi %add3A_228, %add3A_248 : i32
        %dma_start3A_250 = arith.constant 0 : i32
        %dma_start3A_251 = tpu.memref_slice %arg7[%add3A_249, %dma_start3A_250] : memref<16x128xi32, #tpu.memory_space<vmem>> -> memref<1x128xi32, #tpu.memory_space<vmem>>
        %dma_start3A_252 = tpu.memref_squeeze %dma_start3A_251 : memref<1x128xi32, #tpu.memory_space<vmem>> -> memref<128xi32, #tpu.memory_space<vmem>>
        %dma_start3A_253 = arith.constant 0 : i32
        %dma_start3A_254 = arith.constant 0 : i32
        %dma_start3A_255 = tpu.memref_slice %arg13[%dma_start3A_253, %dma_start3A_254] : memref<10000x64xf32, #tpu.memory_space<vmem_shared>> -> memref<10000x64xf32, #tpu.memory_space<vmem_shared>>
        tpu.enqueue_indirect_dma source(%dma_start3A_255 : memref<10000x64xf32, #tpu.memory_space<vmem_shared>>) target(%arg11 : memref<128x64xf32, #tpu.memory_space<vmem>>) offsets(%dma_start3A_252 : memref<128xi32, #tpu.memory_space<vmem>>) semaphore(%arg17 : memref<!tpu.dma_semaphore, #tpu.memory_space<semaphore_mem>>)
        %mul3A_256 = arith.constant 4 : i32
        %mul3A_257 = arith.muli %mul3A_256, %scan3A_156 : i32
        %add3A_258 = arith.constant 2 : i32
        %add3A_259 = arith.addi %mul3A_257, %add3A_258 : i32
        %add3A_260 = arith.constant 3 : i32
        %add3A_261 = arith.addi %add3A_259, %add3A_260 : i32
        %dma_wait3A_262 = arith.constant 0 : i32
        %dma_wait3A_263 = tpu.memref_slice %arg7[%add3A_261, %dma_wait3A_262] : memref<16x128xi32, #tpu.memory_space<vmem>> -> memref<1x128xi32, #tpu.memory_space<vmem>>
        %dma_wait3A_264 = tpu.memref_squeeze %dma_wait3A_263 : memref<1x128xi32, #tpu.memory_space<vmem>> -> memref<128xi32, #tpu.memory_space<vmem>>
        %dma_wait3A_265 = arith.constant 0 : i32
        %dma_wait3A_266 = arith.constant 0 : i32
        %dma_wait3A_267 = tpu.memref_slice %arg13[%dma_wait3A_265, %dma_wait3A_266] : memref<10000x64xf32, #tpu.memory_space<vmem_shared>> -> memref<10000x64xf32, #tpu.memory_space<vmem_shared>>
        tpu.wait_indirect_dma semaphore(%arg16 : memref<!tpu.dma_semaphore, #tpu.memory_space<semaphore_mem>>) src(%dma_wait3A_267 : memref<10000x64xf32, #tpu.memory_space<vmem_shared>>) dst(%arg10 : memref<128x64xf32, #tpu.memory_space<vmem>>)
        %dma_start3A_268 = arith.constant 0 : i32
        %dma_start3A_269 = tpu.memref_slice %arg8[%add3A_261, %dma_start3A_268] : memref<16x128xi32, #tpu.memory_space<vmem>> -> memref<1x128xi32, #tpu.memory_space<vmem>>
        %dma_start3A_270 = tpu.memref_squeeze %dma_start3A_269 : memref<1x128xi32, #tpu.memory_space<vmem>> -> memref<128xi32, #tpu.memory_space<vmem>>
        %dma_start3A_271 = arith.constant 0 : i32
        %dma_start3A_272 = arith.constant 0 : i32
        %dma_start3A_273 = tpu.memref_slice %arg14[%dma_start3A_271, %dma_start3A_272] : memref<10240x64xf32, #tpu.memory_space<vmem_shared>> -> memref<10240x64xf32, #tpu.memory_space<vmem_shared>>
        tpu.enqueue_indirect_dma source(%arg10 : memref<128x64xf32, #tpu.memory_space<vmem>>) target(%dma_start3A_273 : memref<10240x64xf32, #tpu.memory_space<vmem_shared>>) offsets(%dma_start3A_270 : memref<128xi32, #tpu.memory_space<vmem>>) semaphore(%arg20 : memref<!tpu.dma_semaphore, #tpu.memory_space<semaphore_mem>>) {add = true}
        %dma_wait3A_274 = arith.constant 0 : i32
        %dma_wait3A_275 = arith.constant 0 : i32
        %dma_wait3A_276 = tpu.memref_slice %arg8[%dma_wait3A_274, %dma_wait3A_275] : memref<16x128xi32, #tpu.memory_space<vmem>> -> memref<1x128xi32, #tpu.memory_space<vmem>>
        %dma_wait3A_277 = tpu.memref_squeeze %dma_wait3A_276 : memref<1x128xi32, #tpu.memory_space<vmem>> -> memref<128xi32, #tpu.memory_space<vmem>>
        %dma_wait3A_278 = arith.constant 0 : i32
        %dma_wait3A_279 = arith.constant 0 : i32
        %dma_wait3A_280 = tpu.memref_slice %arg14[%dma_wait3A_278, %dma_wait3A_279] : memref<10240x64xf32, #tpu.memory_space<vmem_shared>> -> memref<10240x64xf32, #tpu.memory_space<vmem_shared>>
        tpu.wait_indirect_dma semaphore(%arg22 : memref<!tpu.dma_semaphore, #tpu.memory_space<semaphore_mem>>) src(%arg12 : memref<128x64xf32, #tpu.memory_space<vmem>>) dst(%dma_wait3A_280 : memref<10240x64xf32, #tpu.memory_space<vmem_shared>>)
        %add3A_281 = arith.constant 2 : i32
        %add3A_282 = arith.addi %add3A_261, %add3A_281 : i32
        %dma_start3A_283 = arith.constant 0 : i32
        %dma_start3A_284 = tpu.memref_slice %arg7[%add3A_282, %dma_start3A_283] : memref<16x128xi32, #tpu.memory_space<vmem>> -> memref<1x128xi32, #tpu.memory_space<vmem>>
        %dma_start3A_285 = tpu.memref_squeeze %dma_start3A_284 : memref<1x128xi32, #tpu.memory_space<vmem>> -> memref<128xi32, #tpu.memory_space<vmem>>
        %dma_start3A_286 = arith.constant 0 : i32
        %dma_start3A_287 = arith.constant 0 : i32
        %dma_start3A_288 = tpu.memref_slice %arg13[%dma_start3A_286, %dma_start3A_287] : memref<10000x64xf32, #tpu.memory_space<vmem_shared>> -> memref<10000x64xf32, #tpu.memory_space<vmem_shared>>
        tpu.enqueue_indirect_dma source(%dma_start3A_288 : memref<10000x64xf32, #tpu.memory_space<vmem_shared>>) target(%arg12 : memref<128x64xf32, #tpu.memory_space<vmem>>) offsets(%dma_start3A_285 : memref<128xi32, #tpu.memory_space<vmem>>) semaphore(%arg18 : memref<!tpu.dma_semaphore, #tpu.memory_space<semaphore_mem>>)
      }
      %scan3A_99 = arith.constant 3 : i32
      %dma_wait3A_100 = arith.constant 14 : i32
      %dma_wait3A_101 = arith.constant 0 : i32
      %dma_wait3A_102 = tpu.memref_slice %arg7[%dma_wait3A_100, %dma_wait3A_101] : memref<16x128xi32, #tpu.memory_space<vmem>> -> memref<1x128xi32, #tpu.memory_space<vmem>>
      %dma_wait3A_103 = tpu.memref_squeeze %dma_wait3A_102 : memref<1x128xi32, #tpu.memory_space<vmem>> -> memref<128xi32, #tpu.memory_space<vmem>>
      %dma_wait3A_104 = arith.constant 0 : i32
      %dma_wait3A_105 = arith.constant 0 : i32
      %dma_wait3A_106 = tpu.memref_slice %arg13[%dma_wait3A_104, %dma_wait3A_105] : memref<10000x64xf32, #tpu.memory_space<vmem_shared>> -> memref<10000x64xf32, #tpu.memory_space<vmem_shared>>
      tpu.wait_indirect_dma semaphore(%arg17 : memref<!tpu.dma_semaphore, #tpu.memory_space<semaphore_mem>>) src(%dma_wait3A_106 : memref<10000x64xf32, #tpu.memory_space<vmem_shared>>) dst(%arg11 : memref<128x64xf32, #tpu.memory_space<vmem>>)
      %dma_start3A_107 = arith.constant 14 : i32
      %dma_start3A_108 = arith.constant 0 : i32
      %dma_start3A_109 = tpu.memref_slice %arg8[%dma_start3A_107, %dma_start3A_108] : memref<16x128xi32, #tpu.memory_space<vmem>> -> memref<1x128xi32, #tpu.memory_space<vmem>>
      %dma_start3A_110 = tpu.memref_squeeze %dma_start3A_109 : memref<1x128xi32, #tpu.memory_space<vmem>> -> memref<128xi32, #tpu.memory_space<vmem>>
      %dma_start3A_111 = arith.constant 0 : i32
      %dma_start3A_112 = arith.constant 0 : i32
      %dma_start3A_113 = tpu.memref_slice %arg14[%dma_start3A_111, %dma_start3A_112] : memref<10240x64xf32, #tpu.memory_space<vmem_shared>> -> memref<10240x64xf32, #tpu.memory_space<vmem_shared>>
      tpu.enqueue_indirect_dma source(%arg11 : memref<128x64xf32, #tpu.memory_space<vmem>>) target(%dma_start3A_113 : memref<10240x64xf32, #tpu.memory_space<vmem_shared>>) offsets(%dma_start3A_110 : memref<128xi32, #tpu.memory_space<vmem>>) semaphore(%arg21 : memref<!tpu.dma_semaphore, #tpu.memory_space<semaphore_mem>>) {add = true}
      %dma_wait3A_114 = arith.constant 15 : i32
      %dma_wait3A_115 = arith.constant 0 : i32
      %dma_wait3A_116 = tpu.memref_slice %arg7[%dma_wait3A_114, %dma_wait3A_115] : memref<16x128xi32, #tpu.memory_space<vmem>> -> memref<1x128xi32, #tpu.memory_space<vmem>>
      %dma_wait3A_117 = tpu.memref_squeeze %dma_wait3A_116 : memref<1x128xi32, #tpu.memory_space<vmem>> -> memref<128xi32, #tpu.memory_space<vmem>>
      %dma_wait3A_118 = arith.constant 0 : i32
      %dma_wait3A_119 = arith.constant 0 : i32
      %dma_wait3A_120 = tpu.memref_slice %arg13[%dma_wait3A_118, %dma_wait3A_119] : memref<10000x64xf32, #tpu.memory_space<vmem_shared>> -> memref<10000x64xf32, #tpu.memory_space<vmem_shared>>
      tpu.wait_indirect_dma semaphore(%arg18 : memref<!tpu.dma_semaphore, #tpu.memory_space<semaphore_mem>>) src(%dma_wait3A_120 : memref<10000x64xf32, #tpu.memory_space<vmem_shared>>) dst(%arg12 : memref<128x64xf32, #tpu.memory_space<vmem>>)
      %dma_start3A_121 = arith.constant 15 : i32
      %dma_start3A_122 = arith.constant 0 : i32
      %dma_start3A_123 = tpu.memref_slice %arg8[%dma_start3A_121, %dma_start3A_122] : memref<16x128xi32, #tpu.memory_space<vmem>> -> memref<1x128xi32, #tpu.memory_space<vmem>>
      %dma_start3A_124 = tpu.memref_squeeze %dma_start3A_123 : memref<1x128xi32, #tpu.memory_space<vmem>> -> memref<128xi32, #tpu.memory_space<vmem>>
      %dma_start3A_125 = arith.constant 0 : i32
      %dma_start3A_126 = arith.constant 0 : i32
      %dma_start3A_127 = tpu.memref_slice %arg14[%dma_start3A_125, %dma_start3A_126] : memref<10240x64xf32, #tpu.memory_space<vmem_shared>> -> memref<10240x64xf32, #tpu.memory_space<vmem_shared>>
      tpu.enqueue_indirect_dma source(%arg12 : memref<128x64xf32, #tpu.memory_space<vmem>>) target(%dma_start3A_127 : memref<10240x64xf32, #tpu.memory_space<vmem_shared>>) offsets(%dma_start3A_124 : memref<128xi32, #tpu.memory_space<vmem>>) semaphore(%arg22 : memref<!tpu.dma_semaphore, #tpu.memory_space<semaphore_mem>>) {add = true}
      %dma_wait3A_128 = arith.constant 0 : i32
      %dma_wait3A_129 = arith.constant 0 : i32
      %dma_wait3A_130 = tpu.memref_slice %arg8[%dma_wait3A_128, %dma_wait3A_129] : memref<16x128xi32, #tpu.memory_space<vmem>> -> memref<1x128xi32, #tpu.memory_space<vmem>>
      %dma_wait3A_131 = tpu.memref_squeeze %dma_wait3A_130 : memref<1x128xi32, #tpu.memory_space<vmem>> -> memref<128xi32, #tpu.memory_space<vmem>>
      %dma_wait3A_132 = arith.constant 0 : i32
      %dma_wait3A_133 = arith.constant 0 : i32
      %dma_wait3A_134 = tpu.memref_slice %arg14[%dma_wait3A_132, %dma_wait3A_133] : memref<10240x64xf32, #tpu.memory_space<vmem_shared>> -> memref<10240x64xf32, #tpu.memory_space<vmem_shared>>
      tpu.wait_indirect_dma semaphore(%arg19 : memref<!tpu.dma_semaphore, #tpu.memory_space<semaphore_mem>>) src(%arg9 : memref<128x64xf32, #tpu.memory_space<vmem>>) dst(%dma_wait3A_134 : memref<10240x64xf32, #tpu.memory_space<vmem_shared>>)
      %dma_wait3A_135 = arith.constant 0 : i32
      %dma_wait3A_136 = arith.constant 0 : i32
      %dma_wait3A_137 = tpu.memref_slice %arg8[%dma_wait3A_135, %dma_wait3A_136] : memref<16x128xi32, #tpu.memory_space<vmem>> -> memref<1x128xi32, #tpu.memory_space<vmem>>
      %dma_wait3A_138 = tpu.memref_squeeze %dma_wait3A_137 : memref<1x128xi32, #tpu.memory_space<vmem>> -> memref<128xi32, #tpu.memory_space<vmem>>
      %dma_wait3A_139 = arith.constant 0 : i32
      %dma_wait3A_140 = arith.constant 0 : i32
      %dma_wait3A_141 = tpu.memref_slice %arg14[%dma_wait3A_139, %dma_wait3A_140] : memref<10240x64xf32, #tpu.memory_space<vmem_shared>> -> memref<10240x64xf32, #tpu.memory_space<vmem_shared>>
      tpu.wait_indirect_dma semaphore(%arg20 : memref<!tpu.dma_semaphore, #tpu.memory_space<semaphore_mem>>) src(%arg10 : memref<128x64xf32, #tpu.memory_space<vmem>>) dst(%dma_wait3A_141 : memref<10240x64xf32, #tpu.memory_space<vmem_shared>>)
      %dma_wait3A_142 = arith.constant 0 : i32
      %dma_wait3A_143 = arith.constant 0 : i32
      %dma_wait3A_144 = tpu.memref_slice %arg8[%dma_wait3A_142, %dma_wait3A_143] : memref<16x128xi32, #tpu.memory_space<vmem>> -> memref<1x128xi32, #tpu.memory_space<vmem>>
      %dma_wait3A_145 = tpu.memref_squeeze %dma_wait3A_144 : memref<1x128xi32, #tpu.memory_space<vmem>> -> memref<128xi32, #tpu.memory_space<vmem>>
      %dma_wait3A_146 = arith.constant 0 : i32
      %dma_wait3A_147 = arith.constant 0 : i32
      %dma_wait3A_148 = tpu.memref_slice %arg14[%dma_wait3A_146, %dma_wait3A_147] : memref<10240x64xf32, #tpu.memory_space<vmem_shared>> -> memref<10240x64xf32, #tpu.memory_space<vmem_shared>>
      tpu.wait_indirect_dma semaphore(%arg21 : memref<!tpu.dma_semaphore, #tpu.memory_space<semaphore_mem>>) src(%arg11 : memref<128x64xf32, #tpu.memory_space<vmem>>) dst(%dma_wait3A_148 : memref<10240x64xf32, #tpu.memory_space<vmem_shared>>)
      %dma_wait3A_149 = arith.constant 0 : i32
      %dma_wait3A_150 = arith.constant 0 : i32
      %dma_wait3A_151 = tpu.memref_slice %arg8[%dma_wait3A_149, %dma_wait3A_150] : memref<16x128xi32, #tpu.memory_space<vmem>> -> memref<1x128xi32, #tpu.memory_space<vmem>>
      %dma_wait3A_152 = tpu.memref_squeeze %dma_wait3A_151 : memref<1x128xi32, #tpu.memory_space<vmem>> -> memref<128xi32, #tpu.memory_space<vmem>>
      %dma_wait3A_153 = arith.constant 0 : i32
      %dma_wait3A_154 = arith.constant 0 : i32
      %dma_wait3A_155 = tpu.memref_slice %arg14[%dma_wait3A_153, %dma_wait3A_154] : memref<10240x64xf32, #tpu.memory_space<vmem_shared>> -> memref<10240x64xf32, #tpu.memory_space<vmem_shared>>
      tpu.wait_indirect_dma semaphore(%arg22 : memref<!tpu.dma_semaphore, #tpu.memory_space<semaphore_mem>>) src(%arg12 : memref<128x64xf32, #tpu.memory_space<vmem>>) dst(%dma_wait3A_155 : memref<10240x64xf32, #tpu.memory_space<vmem_shared>>)
    }
    %scan3A_28 = arith.constant 10 : i32
    %barrier3A_29 = arith.constant 0 : index
    tpu.barrier barrier_id(%barrier3A_29)
    %mul3A_30 = arith.constant 640 : i32
    %mul3A_31 = arith.muli %arg1, %mul3A_30 : i32
    %mul3A_32 = arith.constant 640 : i32
    %mul3A_33 = arith.muli %arg1, %mul3A_32 : i32
    "tpu.region"() ({
      %run_scoped3A = tpu.sem_alloc : memref<!tpu.dma_semaphore, #tpu.memory_space<semaphore_mem>>
      %dma_start3A = arith.constant 0 : i32
      %dma_start3A_34 = tpu.memref_slice %arg6[%arg0, %mul3A_33, %dma_start3A] : memref<2x10240x64xf32, #tpu.memory_space<hbm>> -> memref<1x640x64xf32, #tpu.memory_space<hbm>>
      %dma_start3A_35 = tpu.memref_squeeze %dma_start3A_34 : memref<1x640x64xf32, #tpu.memory_space<hbm>> -> memref<640x64xf32, #tpu.memory_space<hbm>>
      %dma_start3A_36 = arith.constant 0 : i32
      %dma_start3A_37 = tpu.memref_slice %arg14[%mul3A_31, %dma_start3A_36] : memref<10240x64xf32, #tpu.memory_space<vmem_shared>> -> memref<640x64xf32, #tpu.memory_space<vmem_shared>>
      tpu.enqueue_dma source(%dma_start3A_37 : memref<640x64xf32, #tpu.memory_space<vmem_shared>>) target(%dma_start3A_35 : memref<640x64xf32, #tpu.memory_space<hbm>>) target_semaphore(%run_scoped3A : memref<!tpu.dma_semaphore, #tpu.memory_space<semaphore_mem>>)
      %dma_wait3A = arith.constant 0 : i32
      %dma_wait3A_38 = tpu.memref_slice %arg6[%arg0, %mul3A_33, %dma_wait3A] : memref<2x10240x64xf32, #tpu.memory_space<hbm>> -> memref<1x640x64xf32, #tpu.memory_space<hbm>>
      %dma_wait3A_39 = tpu.memref_squeeze %dma_wait3A_38 : memref<1x640x64xf32, #tpu.memory_space<hbm>> -> memref<640x64xf32, #tpu.memory_space<hbm>>
      %dma_wait3A_40 = arith.constant 0 : i32
      %dma_wait3A_41 = tpu.memref_slice %arg14[%mul3A_31, %dma_wait3A_40] : memref<10240x64xf32, #tpu.memory_space<vmem_shared>> -> memref<640x64xf32, #tpu.memory_space<vmem_shared>>
      tpu.wait_dma2 semaphore(%run_scoped3A : memref<!tpu.dma_semaphore, #tpu.memory_space<semaphore_mem>>) src(%dma_wait3A_41 : memref<640x64xf32, #tpu.memory_space<vmem_shared>>) dst(%dma_wait3A_39 : memref<640x64xf32, #tpu.memory_space<hbm>>)
      tpu.yield
    }) : () -> ()
    return
  }
}

module attributes {stable_mosaic.version = 14 : i64} {
  func.func @_finish_body(%arg0: memref<2x10240x64xf32, #tpu.memory_space<vmem>>, %arg1: memref<32x128xbf16, #tpu.memory_space<vmem>>, %arg2: memref<10000x17xf32, #tpu.memory_space<vmem>>, %arg3: memref<10000x1xi32, #tpu.memory_space<vmem>>) attributes {dimension_semantics = [], scalar_prefetch = 0 : i64, scratch_operands = 0 : i64, tpu.core_type = #tpu.core_type<tc>} {
    %get3A = arith.constant 0 : index
    %get3A_0 = arith.constant 0 : index
    %get3A_1 = arith.constant 0 : index
    %get3A_2 = vector.load %arg0[%get3A, %get3A_0, %get3A_1] : memref<2x10240x64xf32, #tpu.memory_space<vmem>>, vector<1x10000x64xf32>
    %get3A_3 = vector.shape_cast %get3A_2 : vector<1x10000x64xf32> to vector<10000x64xf32>
    %get3A_4 = arith.constant 1 : index
    %get3A_5 = arith.constant 0 : index
    %get3A_6 = arith.constant 0 : index
    %get3A_7 = vector.load %arg0[%get3A_4, %get3A_5, %get3A_6] : memref<2x10240x64xf32, #tpu.memory_space<vmem>>, vector<1x10000x64xf32>
    %get3A_8 = vector.shape_cast %get3A_7 : vector<1x10000x64xf32> to vector<10000x64xf32>
    %concatenate3A = tpu.concatenate %get3A_3, %get3A_8 in 1 : vector<10000x64xf32>, vector<10000x64xf32> -> vector<10000x128xf32>
    %convert_element_type3A = arith.truncf %concatenate3A : vector<10000x128xf32> to vector<10000x128xbf16>
    %get3A_9 = arith.constant 0 : index
    %get3A_10 = arith.constant 0 : index
    %get3A_11 = vector.load %arg1[%get3A_9, %get3A_10] : memref<32x128xbf16, #tpu.memory_space<vmem>>, vector<32x128xbf16>
    %dot_general3A = arith.constant dense<0.000000e+00> : vector<10000x32xf32>
    %dot_general3A_12 = tpu.matmul %convert_element_type3A, %get3A_11, %dot_general3A {dimension_numbers = #tpu.dot_dimension_numbers<[1], [1], [0], [0], [0, 0, 1, 0], [], []>, transpose_lhs_hint = false} : vector<10000x128xbf16>, vector<32x128xbf16>, vector<10000x32xf32> -> vector<10000x32xf32>
    %iota3A = tpu.iota {dimensions = array<i32: 1>} : vector<10000x32xi32>
    %lt3A = arith.constant 17 : i32
    %lt3A_13 = vector.broadcast %lt3A : i32 to vector<10000x32xi32>
    %lt3A_14 = arith.cmpi slt, %iota3A, %lt3A_13 : vector<10000x32xi32>
    %jit3A = arith.constant -3.400000e+38 : f32
    %broadcast_in_dim3A = vector.broadcast %jit3A : f32 to vector<10000x32xf32>
    %select_n3A = arith.select %lt3A_14, %dot_general3A_12, %broadcast_in_dim3A : vector<10000x32xi1>, vector<10000x32xf32>
    %reduce_max3A = arith.constant dense<0xFF800000> : vector<10000xf32>
    %reduce_max3A_15 = vector.multi_reduction <maximumf>, %select_n3A, %reduce_max3A [1] : vector<10000x32xf32> to vector<10000xf32>
    %broadcast_in_dim3A_16 = vector.shape_cast %reduce_max3A_15 : vector<10000xf32> to vector<10000x1xf32>
    %eq3A = vector.broadcast %broadcast_in_dim3A_16 : vector<10000x1xf32> to vector<10000x32xf32>
    %eq3A_17 = arith.cmpf oeq, %select_n3A, %eq3A : vector<10000x32xf32>
    %and3A = arith.andi %eq3A_17, %lt3A_14 : vector<10000x32xi1>
    %jit3A_18 = arith.constant 32 : i32
    %broadcast_in_dim3A_19 = vector.broadcast %jit3A_18 : i32 to vector<10000x32xi32>
    %select_n3A_20 = arith.select %and3A, %iota3A, %broadcast_in_dim3A_19 : vector<10000x32xi1>, vector<10000x32xi32>
    %reduce_min3A = arith.constant dense<2147483647> : vector<10000xi32>
    %reduce_min3A_21 = vector.multi_reduction <minsi>, %select_n3A_20, %reduce_min3A [1] : vector<10000x32xi32> to vector<10000xi32>
    %broadcast_in_dim3A_22 = vector.shape_cast %reduce_min3A_21 : vector<10000xi32> to vector<10000x1xi32>
    %swap3A = arith.constant 0 : index
    %swap3A_23 = arith.constant 0 : index
    %swap3A_24 = vector.load %arg3[%swap3A, %swap3A_23] : memref<10000x1xi32, #tpu.memory_space<vmem>>, vector<10000x1xi32>
    tpu.vector_store %arg3[%swap3A, %swap3A_23], %broadcast_in_dim3A_22 {strides = array<i32>} : memref<10000x1xi32, #tpu.memory_space<vmem>>, vector<10000x1xi32>,
    %slice3A = vector.extract_strided_slice %dot_general3A_12 {offsets = [0, 0], sizes = [10000, 17], strides = [1, 1]} : vector<10000x32xf32> to vector<10000x17xf32>
    %swap3A_25 = arith.constant 0 : index
    %swap3A_26 = arith.constant 0 : index
    %swap3A_27 = vector.load %arg2[%swap3A_25, %swap3A_26] : memref<10000x17xf32, #tpu.memory_space<vmem>>, vector<10000x17xf32>
    tpu.vector_store %arg2[%swap3A_25, %swap3A_26], %slice3A {strides = array<i32>} : memref<10000x17xf32, #tpu.memory_space<vmem>>, vector<10000x17xf32>,
    return
  }
}

</mosaic_0001>

<sc_bundles>
// kernel: kernel.4.cloned.1.call-start
scs
__scs_entry_jumppad:
0x0: {  	(pc) =	sbr.rel $0x88, $3  }
0x1: {  	(tag) =	ssettag $0x0;
	lr =	simm.s32 $0x1  }
0x2: {  	[smem:$0x3F9B] =	sst lr;
	_ =	strace $0xD0000000  }
0x3: {  	_ = 	snop  }
0x4: {  	_ = 	snop  }
0x5: {  	_ = 	snop  }
0x6: {  	_ = 	snop  }
0x7: {  	_ = 	snop  }
__scs_overlays_trampoline_lowered:
0x8: {  	[smem:$0x3FAA] =	sst s0  }
0x9: {  	[smem:$0x3FAB] =	sst s1  }
0xa: {  	[smem:$0x3FAC] =	sst s2  }
0xb: {  	[smem:$0x3FAD] =	sst s3  }
0xc: {  	[smem:$0x3FAE] =	sst s4  }
0xd: {  	[smem:$0x3FAF] =	sst s5  }
0xe: {  	[smem:$0x3FB0] =	sst s6  }
0xf: {  	[smem:$0x3FB1] =	sst s7  }
0x10: {  	[smem:$0x3FB2] =	sst s8  }
0x11: {  	[smem:$0x3FB3] =	sst s9;
	s0 =	simm.s32 @!p0 $0x0  }
0x12: {  	s1 =	sld [smem:$0x3F99];
	s0 =	simm.s32 @p0 $0x1  }
0x13: {  	[smem:$0x3FB4] =	sst s0;
	s0 =	simm.s32 @!p1 $0x0  }
0x14: {  	s2 =	sld [smem:$0x3F98];
	s0 =	simm.s32 @p1 $0x1  }
0x15: {  	[smem:$0x3FB5] =	sst s0;
	s0 =	simm.s32 @!p2 $0x0  }
0x16: {  	s3 =	sld [smem:$0x3FDB];
	s0 =	simm.s32 @p2 $0x1  }
0x17: {  	s4 =	simm.s32 $0x1BF5;
	[smem:$0x3FB7] =	sst s0  }
0x18: {  	s0 =	sld [smem:$0x3F9A];
	_ =	swait.ge [sflag:s4], $0x0  }
0x19: {  	s7 =	sld [smem:$0x3F9B]  }
0x1a: {  	s8 =	sadd.s32 $0xFFFFE003, lr  }
0x1b: {  	s9 =	sadd.s32 $0xFFFFFEF7, lr;
	s5 =	simm.s32 $0xFFFFFFFF;
	p2 =	slt.u32 s8, $0xFFFFF086  }
0x1c: {  	p1 =	slt.u32 s9, $0xF7A;
	s5 =	simm.s32 @!p2 $0x0  }
0x1d: {  	s5 =	simm.s32 @p1 $0x1;
	p0 =	seq.s32 s7, s2  }
0x1e: {  	s7 =	smul.u32 @!p0 $0xF7A, s2;
	p2 =	seq.s32 @!p0 s5, $0x0  }
0x1f: {  	s9 =	smul.u32 $0xF7A, s1;
	s8 =	simm.s32 @!p0 $0x1BF5;
	p2 =	por !p2, p0  }
0x20: {  	[sflag:s8] =	ssyncset.s32 @!p0 $0xFFFFF086;
	s6 =	sadd.s32 @!p0 s3, s7;
	s7 =	simm.s32 @!p0 $0x108  }
0x21: {  	s3 =	sadd.s32 s3, s9;
	s6 =	sadd.s32 @!p0 $0x88, s6;
	s7 =	simm.s32 @p2 $0x1082  }
0x22: {  	[simem:s7], [sflag:s8] =	dma.local @!p0 [hbm:s6], $0xF7A  }
0x23: {  	s9 =	sor.u32 $0xD0000000, s2;
	s6 =	simm.s32 $0x108;
	_ =	swait.ge @!p0 [sflag:s8], $0x0  }
0x24: {  	s3 =	sadd.s32 $0x88, s3;
	s6 =	simm.s32 @!p1 $0x1082;
	[sflag:s4] =	ssyncset.s32 $0xFFFFF086  }
0x25: {  	[simem:s6], [sflag:s4] =	dma.local [hbm:s3], $0xF7A  }
0x26: {  	[smem:$0x3F9B] =	sst s1;
	(tag) =	ssettag s2;
	_ =	strace s9  }
0x27: {  	s1 =	sld [smem:$0x3FAB]  }
0x28: {  	s2 =	sld [smem:$0x3FAC]  }
0x29: {  	s4 =	sld [smem:$0x3FAE]  }
0x2a: {  	p0 =	seq.s32 s5, $0x0;
	s5 =	sld [smem:$0x3FAF]  }
0x2b: {  	s6 =	sld [smem:$0x3FB0]  }
0x2c: {  	s7 =	sld [smem:$0x3FB1]  }
0x2d: {  	s3 =	simm.s32 $0x108;
	s8 =	sld [smem:$0x3FB2]  }
0x2e: {  	s3 =	simm.s32 @!p0 $0x1082;
	s9 =	sld [smem:$0x3FB3]  }
0x2f: {  	lr =	sadd.s32 s0, s3;
	s0 =	sld [smem:$0x3FAA]  }
0x30: {  	s3 =	sld [smem:$0x3FAD]  }
0x31: {  	[smem:$0x3FB6] =	sst s10  }
0x32: {  	s10 =	sld [smem:$0x3FB4];
	_ =	sdelay $0x3  }
0x33: {  	p0 =	seq.s32 s10, $0x1;
	s10 =	sld [smem:$0x3FB6];
	_ =	sdelay $0x3  }
0x34: {  	[smem:$0x3FB6] =	sst s10  }
0x35: {  	s10 =	sld [smem:$0x3FB5];
	_ =	sdelay $0x3  }
0x36: {  	p1 =	seq.s32 s10, $0x1;
	s10 =	sld [smem:$0x3FB6];
	_ =	sdelay $0x3  }
0x37: {  	[smem:$0x3FB6] =	sst s10  }
0x38: {  	s10 =	sld [smem:$0x3FB7]  }
0x39: {  	_ = 	snop;
	(pc) =	sbr.ind lr, $3  }
0x3a: {  	_ = 	snop  }
0x3b: {  	_ = 	snop  }
0x3c: {  	p2 =	seq.s32 s10, $0x1;
	s10 =	sld [smem:$0x3FB6]  }
0x3d: {  	_ =	shalt  }
0x3e: {  	_ =	shalt  }
0x3f: {  	_ =	shalt  }
0x40: {  	_ =	shalt  }
0x41: {  	_ =	shalt  }
0x42: {  	_ =	shalt  }
0x43: {  	_ =	shalt  }
0x44: {  	_ =	shalt  }
0x45: {  	_ =	shalt  }
0x46: {  	_ =	shalt  }
0x47: {  	_ =	shalt  }
0x48: {  	_ =	shalt  }
0x49: {  	_ =	shalt  }
0x4a: {  	_ =	shalt  }
0x4b: {  	_ =	shalt  }
0x4c: {  	_ =	shalt  }
0x4d: {  	_ =	shalt  }
0x4e: {  	_ =	shalt  }
0x4f: {  	_ =	shalt  }
0x50: {  	_ =	shalt  }
0x51: {  	_ =	shalt  }
0x52: {  	_ =	shalt  }
0x53: {  	_ =	shalt  }
0x54: {  	_ =	shalt  }
0x55: {  	_ =	shalt  }
0x56: {  	_ =	shalt  }
0x57: {  	_ =	shalt  }
0x58: {  	_ =	shalt  }
0x59: {  	_ =	shalt  }
0x5a: {  	_ =	shalt  }
0x5b: {  	_ =	shalt  }
0x5c: {  	_ =	shalt  }
0x5d: {  	_ =	shalt  }
0x5e: {  	_ =	shalt  }
0x5f: {  	_ =	shalt  }
0x60: {  	_ =	shalt  }
0x61: {  	_ =	shalt  }
0x62: {  	_ =	shalt  }
0x63: {  	_ =	shalt  }
0x64: {  	_ =	shalt  }
0x65: {  	_ =	shalt  }
0x66: {  	_ =	shalt  }
0x67: {  	_ =	shalt  }
0x68: {  	_ =	shalt  }
0x69: {  	_ =	shalt  }
0x6a: {  	_ =	shalt  }
0x6b: {  	_ =	shalt  }
0x6c: {  	_ =	shalt  }
0x6d: {  	_ =	shalt  }
0x6e: {  	_ =	shalt  }
0x6f: {  	_ =	shalt  }
0x70: {  	_ =	shalt  }
0x71: {  	_ =	shalt  }
0x72: {  	_ =	shalt  }
0x73: {  	_ =	shalt  }
0x74: {  	_ =	shalt  }
0x75: {  	_ =	shalt  }
0x76: {  	_ =	shalt  }
0x77: {  	_ =	shalt  }
0x78: {  	_ =	shalt  }
0x79: {  	_ =	shalt  }
0x7a: {  	_ =	shalt  }
0x7b: {  	_ =	shalt  }
0x7c: {  	_ =	shalt  }
0x7d: {  	_ =	shalt  }
0x7e: {  	_ =	shalt  }
0x7f: {  	_ =	shalt  }
0x80: {  	_ =	shalt  }
0x81: {  	_ =	shalt  }
0x82: {  	_ =	shalt  }
0x83: {  	_ =	shalt  }
0x84: {  	_ =	shalt  }
0x85: {  	_ =	shalt  }
0x86: {  	_ =	shalt  }
0x87: {  	_ =	shalt  }
.Lfunc_end0:
.L_simem_size_0:
called_computation_lowered:
.L_overlay_start_0:
0x88: {  	s2 =	sld [smem:$0x3FD9]  }
0x89: {  	s3 =	sld [smem:$0x3FFE];
	_ =	sdelay $0x1  }
0x8a: {  	s1 =	srdreg.scid  }
0x8b: {  	s0 =	sand.u32 $0x1, s1  }
0x8c: {  	s14 =	sshll.u32 s0, $0xA;
	s2 =	sadd.s32 s3, s2  }
0x8d: {  	s2 =	sadd.s32 s2, s14  }
0x8e: {  	[smem:$0x3FC2] =	sst s2  }
0x8f: {  	_ = 	snop  }
0x90: {  	s2 =	sld [smem:$0x3FD0];
	_ =	sdelay $0x2  }
0x91: {  	s4 =	simm.s32 $0xA;
	s5 =	simm.s32 $0x10;
	s15 =	sld [smem:$0x3FC9]  }
0x92: {  	[smem:s5], [sflag:s4] =	dma.local [hbm:s2], $0x1  }
0x93: {  	_ =	swait.eq [sflag:s4], $0x1  }
0x94: {  	[sflag:s4] =	ssyncset.done $0x0  }
0x95: {  	[sflag:s4] =	ssyncadd.s32 $0xFFFFFFFF  }
0x96: {  	s16 =	sld [smem:$0x11];
	(tm) =	ssettm $0x1  }
0x97: {  	s17 =	sld [smem:$0x3FFB];
	_ =	sdelay $0x3  }
0x98: {  	_ =	strace s17  }
0x99: {  	s4 =	sld [smem:$0x3FFC];
	_ =	sdelay $0x3  }
0x9a: {  	_ =	strace s4  }
0x9b: {  	s4 =	sld [smem:$0x3FFD];
	_ =	sdelay $0x3  }
0x9c: {  	_ =	strace s4  }
0x9d: {  	_ =	strace $0x8FFFFFFF  }
0x9e: {  	s18 =	sld [smem:$0x3FDB];
	_ =	sdelay $0x1  }
0x9f: {  	s19 =	simm.s32 $_scs_section_size  }
0xa0: {  	s6 =	simm.s32 $_size__tile_overlayer_lowered;
	s7 =	simm.s32 $_tile_overlayer_lowered  }
0xa1: {  	s22 =	simm.s32 $0x1BFF;
	s21 =	sshll.u32 s7, $0x1;
	s4 =	sadd.s32 s19, s18  }
0xa2: {  	s8 =	simm.s32 $0x0;
	s20 =	sshll.u32 s6, $0x1;
	s6 =	sadd.s32 s21, s4  }
0xa3: {  	[timem:s8], [sflag:s22] =	dma.local [hbm:s6], s20  }
0xa4: {  	_ =	swait.ge [sflag:s22], s20  }
0xa5: {  	s5 =	ssub.s32 $0x0, s20;
	[sflag:s22] =	ssyncset.done $0x0  }
0xa6: {  	[sflag:s22] =	ssyncadd.s32 s5;
	_ =	sdelay $0x1  }
0xa7: {  	s23 =	simm.s32 $0x1B8B  }
0xa8: {  	_ =	swait.ge [sflag:s23], $0x1  }
0xa9: {  	[sflag:s23] =	ssyncset.done $0x0  }
0xaa: {  	s25 =	simm.s32 $0x1B8E;
	s24 =	sld [smem:$0x3FFE];
	[sflag:s23] =	ssyncadd.s32 $0xFFFFFFFF  }
0xab: {  	s26 =	simm.s32 $execute0_lowered;
	[smem:$0x3FD2] =	sst s25  }
0xac: {  	s6 =	sshll.u32 s26, $0x1;
	_ =	strace $0x80000046;
	[dreg:$0x1] =	wrdreg $0xFFFFFFFF  }
0xad: {  	s28 =	simm.s32 $_size_execute0_lowered;
	s4 =	sadd.s32 s4, s6;
	[dreg:$0x0] =	wrdreg $0x0  }
0xae: {  	s6 =	sshll.u32 s28, $0x1;
	[dreg:$0x2] =	wrdreg s4  }
0xaf: {  	[dreg:$0x3] =	wrdreg s6  }
0xb0: {  	[dreg:$0x4] =	wrdreg $0xC0  }
0xb1: {  	_ =	task [dreg:s8], $0x5FFFF  }
0xb2: {  	[dreg:$0x1] =	wrdreg $0xFFFFFFFF  }
0xb3: {  	[dreg:$0x0] =	wrdreg $0x60  }
0xb4: {  	[dreg:$0x2] =	wrdreg s15  }
0xb5: {  	[dreg:$0x3] =	wrdreg s24  }
0xb6: {  	[dreg:$0x4] =	wrdreg s16  }
0xb7: {  	[dreg:$0x5] =	wrdreg $0x90000  }
0xb8: {  	[dreg:$0x6] =	wrdreg $0x12C400  }
0xb9: {  	[dreg:$0x7] =	wrdreg $0x9  }
0xba: {  	_ =	task.clear_ibuf [dreg:s8], $0x8FFFF;
	_ =	strace $0x90000046  }
0xbb: {  	s29 =	simm.s32 $0x9;
	_ =	strace $0x80000048  }
0xbc: {  	_ =	swait.ge [sflag:s29], $0x1  }
0xbd: {  	[sflag:s29] =	ssyncadd.s32 $0xFFFFFFFF  }
0xbe: {  	_ =	strace $0x90000048  }
0xbf: {  	_ =	sfence  }
0xc0: {  	s30 =	sld [smem:$0x0];
	_ =	sdelay $0x2  }
0xc1: {  	s31 =	sshll.u32 s1, $0xD;
	s1 =	sshrl.u32 s1, $0x2  }
0xc2: {  	s3 =	sand.u32 $0x4000, s31;
	s1 =	sadd.s32 s1, s30  }
0xc3: {  	s0 =	sor.u32 s3, s0;
	s1 =	sshll.u32 s1, $0x11  }
0xc4: {  	s0 =	sor.u32 s1, s0  }
0xc5: {  	s0 =	sadd.s32 $0x8F2B, s0  }
0xc6: {  	[sflag:s0] =	ssyncadd.remote.s32 $0x1  }
0xc7: {  	_ =	sfence.sel $0xFFFF  }
0xc8: {  	[dreg:$0x0] =	wrdreg $0xFFFFFFFF;
	(pc) =	sbr.abs _section_cstart, $3  }
0xc9: {  	[dreg:$0x1] =	wrdreg $0xFFFFFFFF  }
0xca: {  	_ =	task.clear_ibuf [dreg:s8], $0x2FFFF;
	_ =	strace $0x9FFFFFFF  }
0xcb: {  	(tm) =	ssettm $0x7FFFFFFF  }
tec
execute0_lowered:
.L_overlay_start_1:
0x0: {  	(tag) =	ssettag $0x1  }
0x1: {  	s0 =	rddreg [dreg:$0x0]  }
0x2: {  	s1 =	rddreg [dreg:$0x1]  }
0x3: {  	s3 =	rddreg [dreg:$0x3]  }
0x4: {  	s2 =	srdreg.scid;
	s14 =	stileid.u32  }
0x5: {  	s4 =	rddreg [dreg:$0x4];
	s5 =	simm.s32 $0x0;
	s16 =	simm.s32 $0x100  }
0x6: {  	s17 =	simm.s32 $0x880;
	s19 =	simm.s32 $0x180;
	s20 =	simm.s32 $0x900  }
0x7: {  	s21 =	simm.s32 $0x200;
	s22 =	simm.s32 $0x980;
	s24 =	simm.s32 $0x280  }
0x8: {  	s26 =	simm.s32 $0xA00;
	s28 =	simm.s32 $0x7000;
	[smem:$0x7FF] =	sst s5  }
0x9: {  	s7 =	smul.u32 $0xA000, s14;
	_ =	strace $0x80000047;
	[dreg:$0x7] =	wrdreg s16  }
0xa: {  	s29 =	simm.s32 $0x3;
	s8 =	smul.u32 $0x13880, s14;
	[dreg:$0x8] =	wrdreg s17  }
0xb: {  	s30 =	simm.s32 $0x5;
	s10 =	smul.u32 $0x27100, s14;
	[dreg:$0x9] =	wrdreg s19  }
0xc: {  	s31 =	simm.s32 $0x4;
	s12 =	smul.u32 $0xA00, s14;
	[dreg:$0xa] =	wrdreg s20  }
0xd: {  	s2 =	sand.u32 $0x1, s2;
	s18 =	smul.u32 $0x28000, s14;
	[dreg:$0xb] =	wrdreg s21  }
0xe: {  	s15 =	sshll.u32 s14, $0x6;
	s6 =	smul.u32 $0xA0000, s2;
	[dreg:$0xc] =	wrdreg s22  }
0xf: {  	s9 =	ssub.s32 $0x2, s2;
	s2 =	sshll.u32 s2, $0x6;
	[dreg:$0xd] =	wrdreg s24  }
0x10: {  	s15 =	sor.u32 $0x1C09, s15;
	[dreg:$0xe] =	wrdreg s26;
	s17 =	simm.s32 $0xB00  }
0x11: {  	s19 =	simm.s32 $0xB80;
	s20 =	simm.s32 $0x480;
	[dreg:$0x12] =	wrdreg s17  }
0x12: {  	s21 =	simm.s32 $0xC00;
	s22 =	simm.s32 $0x500;
	[dreg:$0x14] =	wrdreg s19  }
0x13: {  	s24 =	simm.s32 $0x580;
	s26 =	simm.s32 $0x600;
	[dreg:$0x15] =	wrdreg s20  }
0x14: {  	s11 =	sshrl.u32 s9, $0x1;
	s2 =	sor.u32 s2, s8;
	[dreg:$0x16] =	wrdreg s21  }
0x15: {  	s16 =	sadd.s32 s7, s4;
	s17 =	simm.s32 $0x1;
	[dreg:$0x17] =	wrdreg s22  }
0x16: {  	s20 =	simm.s32 $0x9;
	s21 =	simm.s32 $0x1000;
	[dreg:$0x19] =	wrdreg s24  }
0x17: {  	s22 =	simm.s32 $0x800;
	s24 =	simm.s32 $0x3000;
	[dreg:$0x1b] =	wrdreg s26  }
0x18: {  	s26 =	simm.s32 $0x2;
	[dreg:$0x1d] =	wrdreg s15;
	s6 =	sadd.s32 s7, s6  }
0x19: {  	s9 =	ssub.s32 s9, s11;
	s11 =	sshrl.u32 s10, $0x2;
	s2 =	sshrl.u32 s2, $0x3  }
0x1a: {  	s10 =	simm.s32 $0x300;
	[dreg:$0x1e] =	wrdreg s16;
	s6 =	sshrl.u32 s6, $0x3  }
0x1b: {  	s0 =	sadd.s32 s0, s2;
	s2 =	sshrl.u32 s18, $0x2;
	[dreg:$0xf] =	wrdreg s10  }
0x1c: {  	s14 =	smax.u32 s9, $0x1;
	s18 =	simm.s32 $0x400;
	[dreg:$0x1c] =	wrdreg s0  }
0x1d: {  	s13 =	sadd.s32 s6, s1;
	s6 =	sadd.s32 s12, s1;
	[smem:$0x7FC] =	sst s14  }
0x1e: {  	s1 =	sadd.s32 s11, s3;
	s11 =	simm.s32 $0xA80;
	[dreg:$0x13] =	wrdreg s18  }
0x1f: {  	s2 =	sadd.s32 s2, s4;
	s12 =	sadd.s32 $0xA000, s6;
	[dreg:$0x10] =	wrdreg s11  }
0x20: {  	s19 =	simm.s32 $0x680;
	s23 =	sadd.s32 $0x2000, s2;
	[dreg:$0x6] =	wrdreg s12  }
0x21: {  	s7 =	simm.s32 $0xE00;
	s25 =	sadd.s32 $0x4000, s2;
	[dreg:$0x1f] =	wrdreg s23  }
0x22: {  	s10 =	simm.s32 $0x700;
	s8 =	sadd.s32 $0x6000, s2;
	[smem:$0x7F8] =	sst s25  }
0x23: {  	s9 =	simm.s32 $0x0;
	s2 =	sadd.s32 $0x8000, s2;
	[smem:$0x7F9] =	sst s8  }
0x24: {  	s18 =	simm.s32 $0x8;
	s1 =	sshrl.u32 s1, $0x3;
	[smem:$0x7FA] =	sst s2  }
0x25: {  	s0 =	simm.s32 $0x7;
	s12 =	sadd.s32 $0x14000, s13;
	[smem:$0x7FD] =	sst s1  }
0x26: {  	s14 =	simm.s32 $0xF80;
	s13 =	simm.s32 $0x380;
	[smem:$0x7FB] =	sst s12  }
0x27: {  	s11 =	simm.s32 $0xE80;
	s23 =	simm.s32 $0xC80;
	[dreg:$0x11] =	wrdreg s13  }
0x28: {  	s25 =	simm.s32 $0xD00;
	s2 =	simm.s32 $0x6;
	[dreg:$0x18] =	wrdreg s23  }
0x29: {  	s1 =	simm.s32 $0xD80;
	s23 =	simm.s32 $0x80;
	[dreg:$0x1a] =	wrdreg s25  }
0x2a: {  	s25 =	simm.s32 $0x5000;
	s12 =	simm.s32 $0x780;
	s13 =	simm.s32 $0xF00  }
.LBB2_1:
0x2b: {  	[smem:$0x7F7] =	sst s9  }
0x2c: {  	s9 =	sld [smem:$0x7FD]  }
0x2d: {  	s8 =	rddreg [dreg:$0x1c]  }
0x2e: {  	s16 =	simm.s32 $0x10;
	s15 =	rddreg [dreg:$0x1d]  }
0x2f: {  	[spmem:s9@s18], [sflag:s15] =	dma.strided [hbm:s8@s16], $0x1388, s17, $0x8   }
0x30: {  	_ =	swait.ge [sflag:s20], $0x1388  }
0x31: {  	[sflag:s20] =	ssyncset.done $0x0  }
0x32: {  	[sflag:s20] =	ssyncadd.s32 $0xFFFFEC78  }
0x33: {  	s15 =	rddreg [dreg:$0x2]  }
0x34: {  	[tilespmem:s21], [sflag:$0x9] =	stream.linear.gather [hbm4b:s15+s5], $0x2000, $0x38;
	[tilespmem:$0x1CC40] =	vst v63  }
0x35: {  	_ =	swait.ge [sflag:s20], $0x2000  }
0x36: {  	[sflag:s20] =	ssyncset.done $0x0  }
0x37: {  	s16 =	rddreg [dreg:$0x1e];
	[sflag:s20] =	ssyncadd.s32 $0xFFFFE000  }
0x38: {  	[spmem:s16] =	stream.linear.scatter [tilespmem:s21], [sflag:$0x9], $0x2000, $0x38;
	[tilespmem:$0x1CC40] =	vst v63  }
0x39: {  	_ =	swait.ge [sflag:s20], $0x2000  }
0x3a: {  	[sflag:s20] =	ssyncset.done $0x0  }
0x3b: {  	s9 =	rddreg [dreg:$0x1f];
	[sflag:s20] =	ssyncadd.s32 $0xFFFFE000  }
0x3c: {  	[spmem:s9] =	stream.linear.scatter [tilespmem:s21], [sflag:$0x9], $0x2000, $0x38;
	[tilespmem:$0x1CC40] =	vst v63  }
0x3d: {  	_ =	swait.ge [sflag:s20], $0x2000  }
0x3e: {  	s15 =	sld [smem:$0x7F8]  }
0x3f: {  	[sflag:s20] =	ssyncset.done $0x0  }
0x40: {  	[sflag:s20] =	ssyncadd.s32 $0xFFFFE000  }
0x41: {  	[spmem:s15] =	stream.linear.scatter [tilespmem:s21], [sflag:$0x9], $0x2000, $0x38;
	[tilespmem:$0x1CC40] =	vst v63  }
0x42: {  	_ =	swait.ge [sflag:s20], $0x2000  }
0x43: {  	s16 =	sld [smem:$0x7F9]  }
0x44: {  	[sflag:s20] =	ssyncset.done $0x0  }
0x45: {  	[sflag:s20] =	ssyncadd.s32 $0xFFFFE000  }
0x46: {  	[spmem:s16] =	stream.linear.scatter [tilespmem:s21], [sflag:$0x9], $0x2000, $0x38;
	[tilespmem:$0x1CC40] =	vst v63  }
0x47: {  	_ =	swait.ge [sflag:s20], $0x2000  }
0x48: {  	s9 =	sld [smem:$0x7FA]  }
0x49: {  	[sflag:s20] =	ssyncset.done $0x0  }
0x4a: {  	[sflag:s20] =	ssyncadd.s32 $0xFFFFE000  }
0x4b: {  	[spmem:s9] =	stream.linear.scatter [tilespmem:s21], [sflag:$0x9], $0x2000, $0x38;
	[tilespmem:$0x1CC40] =	vst v63  }
0x4c: {  	_ =	swait.ge [sflag:s20], $0x2000  }
0x4d: {  	[sflag:s20] =	ssyncset.done $0x0  }
0x4e: {  	[sflag:s20] =	ssyncadd.s32 $0xFFFFE000  }
0x4f: {  	[bflag:$0x0] =	sbarrier.arrive $0xFFFF  }
0x50: {  	s15 =	rddreg [dreg:$0x6]  }
0x51: {  	s8 =	sadd.s32 $0x0, s15  }
0x52: {  	[tilespmem:s5], [sflag:$0x9] =	stream.linear.gather [hbm4b:s8+s5], $0x800, $0x38;
	[tilespmem:$0x1CC40] =	vst v63  }
0x53: {  	_ =	swait.ge [sflag:s20], $0x800  }
0x54: {  	[sflag:s20] =	ssyncset.done $0x0  }
0x55: {  	s16 =	sadd.s32 $0x0, s6;
	[sflag:s20] =	ssyncadd.s32 $0xFFFFF800  }
0x56: {  	[tilespmem:s22], [sflag:$0x9] =	stream.linear.gather [hbm4b:s16+s5], $0x800, $0x38;
	[tilespmem:$0x1CC40] =	vst v63  }
0x57: {  	_ =	swait.ge [sflag:s20], $0x800  }
0x58: {  	[sflag:s20] =	ssyncset.done $0x0  }
0x59: {  	[sflag:s20] =	ssyncadd.s32 $0xFFFFF800  }
0x5a: {  	[tilespmem:s21], [sflag:$0x1] =	stream.indirect.gather [spmem:s3], $0x40, s5, s23, $0xb8;
	[tilespmem:$0x1CC40] =	vst v63  }
0x5b: {  	_ = 	snop  }
0x5c: {  	[tilespmem:s24], [sflag:$0x2] =	stream.indirect.gather [spmem:s3], $0x40, s23, s23, $0xb8;
	[tilespmem:$0x1CC40] =	vst v63  }
0x5d: {  	_ =	swait.ge [sflag:s17], $0x2000  }
0x5e: {  	[sflag:s17] =	ssyncset.done $0x0  }
0x5f: {  	[sflag:s17] =	ssyncadd.s32 $0xFFFFE000  }
0x60: {  	[spmem:s4] =	stream.indirect.scatter.add.f32 [tilespmem:s21], [sflag:$0x5], $0x40, s22, s23, $0xb8;
	[tilespmem:$0x1CC40] =	vst v63  }
0x61: {  	s9 =	rddreg [dreg:$0x7]  }
0x62: {  	[tilespmem:s25], [sflag:$0x3] =	stream.indirect.gather [spmem:s3], $0x40, s9, s23, $0xb8;
	[tilespmem:$0x1CC40] =	vst v63  }
0x63: {  	_ =	swait.ge [sflag:s26], $0x2000  }
0x64: {  	[sflag:s26] =	ssyncset.done $0x0  }
0x65: {  	s15 =	rddreg [dreg:$0x8];
	[sflag:s26] =	ssyncadd.s32 $0xFFFFE000  }
0x66: {  	[spmem:s4] =	stream.indirect.scatter.add.f32 [tilespmem:s24], [sflag:$0x6], $0x40, s15, s23, $0xb8;
	[tilespmem:$0x1CC40] =	vst v63  }
0x67: {  	s16 =	rddreg [dreg:$0x9]  }
0x68: {  	[tilespmem:s28], [sflag:$0x4] =	stream.indirect.gather [spmem:s3], $0x40, s16, s23, $0xb8;
	[tilespmem:$0x1CC40] =	vst v63  }
0x69: {  	_ =	swait.ge [sflag:s29], $0x2000  }
0x6a: {  	[sflag:s29] =	ssyncset.done $0x0  }
0x6b: {  	s9 =	rddreg [dreg:$0xa];
	[sflag:s29] =	ssyncadd.s32 $0xFFFFE000  }
0x6c: {  	[spmem:s4] =	stream.indirect.scatter.add.f32 [tilespmem:s25], [sflag:$0x7], $0x40, s9, s23, $0xb8;
	[tilespmem:$0x1CC40] =	vst v63  }
0x6d: {  	_ =	swait.ge [sflag:s30], $0x2000  }
0x6e: {  	[sflag:s30] =	ssyncset.done $0x0  }
0x6f: {  	s15 =	rddreg [dreg:$0xb];
	[sflag:s30] =	ssyncadd.s32 $0xFFFFE000  }
0x70: {  	[tilespmem:s21], [sflag:$0x1] =	stream.indirect.gather [spmem:s3], $0x40, s15, s23, $0xb8;
	[tilespmem:$0x1CC40] =	vst v63  }
0x71: {  	_ =	swait.ge [sflag:s31], $0x2000  }
0x72: {  	[sflag:s31] =	ssyncset.done $0x0  }
0x73: {  	s16 =	rddreg [dreg:$0xc];
	[sflag:s31] =	ssyncadd.s32 $0xFFFFE000  }
0x74: {  	[spmem:s4] =	stream.indirect.scatter.add.f32 [tilespmem:s28], [sflag:$0x8], $0x40, s16, s23, $0xb8;
	[tilespmem:$0x1CC40] =	vst v63  }
0x75: {  	_ =	swait.ge [sflag:s2], $0x2000  }
0x76: {  	[sflag:s2] =	ssyncset.done $0x0  }
0x77: {  	s9 =	rddreg [dreg:$0xd];
	[sflag:s2] =	ssyncadd.s32 $0xFFFFE000  }
0x78: {  	[tilespmem:s24], [sflag:$0x2] =	stream.indirect.gather [spmem:s3], $0x40, s9, s23, $0xb8;
	[tilespmem:$0x1CC40] =	vst v63  }
0x79: {  	_ =	swait.ge [sflag:s17], $0x2000  }
0x7a: {  	[sflag:s17] =	ssyncset.done $0x0  }
0x7b: {  	s15 =	rddreg [dreg:$0xe];
	[sflag:s17] =	ssyncadd.s32 $0xFFFFE000  }
0x7c: {  	[spmem:s4] =	stream.indirect.scatter.add.f32 [tilespmem:s21], [sflag:$0x5], $0x40, s15, s23, $0xb8;
	[tilespmem:$0x1CC40] =	vst v63  }
0x7d: {  	_ =	swait.ge [sflag:s0], $0x2000  }
0x7e: {  	[sflag:s0] =	ssyncset.done $0x0  }
0x7f: {  	s16 =	rddreg [dreg:$0xf];
	[sflag:s0] =	ssyncadd.s32 $0xFFFFE000  }
0x80: {  	[tilespmem:s25], [sflag:$0x3] =	stream.indirect.gather [spmem:s3], $0x40, s16, s23, $0xb8;
	[tilespmem:$0x1CC40] =	vst v63  }
0x81: {  	_ =	swait.ge [sflag:s26], $0x2000  }
0x82: {  	[sflag:s26] =	ssyncset.done $0x0  }
0x83: {  	s9 =	rddreg [dreg:$0x10];
	[sflag:s26] =	ssyncadd.s32 $0xFFFFE000  }
0x84: {  	[spmem:s4] =	stream.indirect.scatter.add.f32 [tilespmem:s24], [sflag:$0x6], $0x40, s9, s23, $0xb8;
	[tilespmem:$0x1CC40] =	vst v63  }
0x85: {  	_ =	swait.ge [sflag:s18], $0x2000  }
0x86: {  	[sflag:s18] =	ssyncset.done $0x0  }
0x87: {  	s15 =	rddreg [dreg:$0x11];
	[sflag:s18] =	ssyncadd.s32 $0xFFFFE000  }
0x88: {  	[tilespmem:s28], [sflag:$0x4] =	stream.indirect.gather [spmem:s3], $0x40, s15, s23, $0xb8;
	[tilespmem:$0x1CC40] =	vst v63  }
0x89: {  	_ =	swait.ge [sflag:s29], $0x2000  }
0x8a: {  	[sflag:s29] =	ssyncset.done $0x0  }
0x8b: {  	s16 =	rddreg [dreg:$0x12];
	[sflag:s29] =	ssyncadd.s32 $0xFFFFE000  }
0x8c: {  	[spmem:s4] =	stream.indirect.scatter.add.f32 [tilespmem:s25], [sflag:$0x7], $0x40, s16, s23, $0xb8;
	[tilespmem:$0x1CC40] =	vst v63  }
0x8d: {  	_ =	swait.ge [sflag:s30], $0x2000  }
0x8e: {  	[sflag:s30] =	ssyncset.done $0x0  }
0x8f: {  	s9 =	rddreg [dreg:$0x13];
	[sflag:s30] =	ssyncadd.s32 $0xFFFFE000  }
0x90: {  	[tilespmem:s21], [sflag:$0x1] =	stream.indirect.gather [spmem:s3], $0x40, s9, s23, $0xb8;
	[tilespmem:$0x1CC40] =	vst v63  }
0x91: {  	_ =	swait.ge [sflag:s31], $0x2000  }
0x92: {  	[sflag:s31] =	ssyncset.done $0x0  }
0x93: {  	s15 =	rddreg [dreg:$0x14];
	[sflag:s31] =	ssyncadd.s32 $0xFFFFE000  }
0x94: {  	[spmem:s4] =	stream.indirect.scatter.add.f32 [tilespmem:s28], [sflag:$0x8], $0x40, s15, s23, $0xb8;
	[tilespmem:$0x1CC40] =	vst v63  }
0x95: {  	_ =	swait.ge [sflag:s2], $0x2000  }
0x96: {  	[sflag:s2] =	ssyncset.done $0x0  }
0x97: {  	s16 =	rddreg [dreg:$0x15];
	[sflag:s2] =	ssyncadd.s32 $0xFFFFE000  }
0x98: {  	[tilespmem:s24], [sflag:$0x2] =	stream.indirect.gather [spmem:s3], $0x40, s16, s23, $0xb8;
	[tilespmem:$0x1CC40] =	vst v63  }
0x99: {  	_ =	swait.ge [sflag:s17], $0x2000  }
0x9a: {  	[sflag:s17] =	ssyncset.done $0x0  }
0x9b: {  	s9 =	rddreg [dreg:$0x16];
	[sflag:s17] =	ssyncadd.s32 $0xFFFFE000  }
0x9c: {  	[spmem:s4] =	stream.indirect.scatter.add.f32 [tilespmem:s21], [sflag:$0x5], $0x40, s9, s23, $0xb8;
	[tilespmem:$0x1CC40] =	vst v63  }
0x9d: {  	_ =	swait.ge [sflag:s0], $0x2000  }
0x9e: {  	[sflag:s0] =	ssyncset.done $0x0  }
0x9f: {  	s15 =	rddreg [dreg:$0x17];
	[sflag:s0] =	ssyncadd.s32 $0xFFFFE000  }
0xa0: {  	[tilespmem:s25], [sflag:$0x3] =	stream.indirect.gather [spmem:s3], $0x40, s15, s23, $0xb8;
	[tilespmem:$0x1CC40] =	vst v63  }
0xa1: {  	_ =	swait.ge [sflag:s26], $0x2000  }
0xa2: {  	[sflag:s26] =	ssyncset.done $0x0  }
0xa3: {  	s16 =	rddreg [dreg:$0x18];
	[sflag:s26] =	ssyncadd.s32 $0xFFFFE000  }
0xa4: {  	[spmem:s4] =	stream.indirect.scatter.add.f32 [tilespmem:s24], [sflag:$0x6], $0x40, s16, s23, $0xb8;
	[tilespmem:$0x1CC40] =	vst v63  }
0xa5: {  	_ =	swait.ge [sflag:s18], $0x2000  }
0xa6: {  	[sflag:s18] =	ssyncset.done $0x0  }
0xa7: {  	s9 =	rddreg [dreg:$0x19];
	[sflag:s18] =	ssyncadd.s32 $0xFFFFE000  }
0xa8: {  	[tilespmem:s28], [sflag:$0x4] =	stream.indirect.gather [spmem:s3], $0x40, s9, s23, $0xb8;
	[tilespmem:$0x1CC40] =	vst v63  }
0xa9: {  	_ =	swait.ge [sflag:s29], $0x2000  }
0xaa: {  	[sflag:s29] =	ssyncset.done $0x0  }
0xab: {  	s15 =	rddreg [dreg:$0x1a];
	[sflag:s29] =	ssyncadd.s32 $0xFFFFE000  }
0xac: {  	[spmem:s4] =	stream.indirect.scatter.add.f32 [tilespmem:s25], [sflag:$0x7], $0x40, s15, s23, $0xb8;
	[tilespmem:$0x1CC40] =	vst v63  }
0xad: {  	_ =	swait.ge [sflag:s30], $0x2000  }
0xae: {  	[sflag:s30] =	ssyncset.done $0x0  }
0xaf: {  	s16 =	rddreg [dreg:$0x1b];
	[sflag:s30] =	ssyncadd.s32 $0xFFFFE000  }
0xb0: {  	[tilespmem:s21], [sflag:$0x1] =	stream.indirect.gather [spmem:s3], $0x40, s16, s23, $0xb8;
	[tilespmem:$0x1CC40] =	vst v63  }
0xb1: {  	_ =	swait.ge [sflag:s31], $0x2000  }
0xb2: {  	[sflag:s31] =	ssyncset.done $0x0  }
0xb3: {  	[sflag:s31] =	ssyncadd.s32 $0xFFFFE000  }
0xb4: {  	[spmem:s4] =	stream.indirect.scatter.add.f32 [tilespmem:s28], [sflag:$0x8], $0x40, s1, s23, $0xb8;
	[tilespmem:$0x1CC40] =	vst v63  }
0xb5: {  	_ =	swait.ge [sflag:s2], $0x2000  }
0xb6: {  	[sflag:s2] =	ssyncset.done $0x0  }
0xb7: {  	[sflag:s2] =	ssyncadd.s32 $0xFFFFE000  }
0xb8: {  	[tilespmem:s24], [sflag:$0x2] =	stream.indirect.gather [spmem:s3], $0x40, s19, s23, $0xb8;
	[tilespmem:$0x1CC40] =	vst v63  }
0xb9: {  	_ =	swait.ge [sflag:s17], $0x2000  }
0xba: {  	[sflag:s17] =	ssyncset.done $0x0  }
0xbb: {  	[sflag:s17] =	ssyncadd.s32 $0xFFFFE000  }
0xbc: {  	[spmem:s4] =	stream.indirect.scatter.add.f32 [tilespmem:s21], [sflag:$0x5], $0x40, s7, s23, $0xb8;
	[tilespmem:$0x1CC40] =	vst v63  }
0xbd: {  	_ =	swait.ge [sflag:s0], $0x2000  }
0xbe: {  	[sflag:s0] =	ssyncset.done $0x0  }
0xbf: {  	[sflag:s0] =	ssyncadd.s32 $0xFFFFE000  }
0xc0: {  	[tilespmem:s25], [sflag:$0x3] =	stream.indirect.gather [spmem:s3], $0x40, s10, s23, $0xb8;
	[tilespmem:$0x1CC40] =	vst v63  }
0xc1: {  	_ =	swait.ge [sflag:s26], $0x2000  }
0xc2: {  	[sflag:s26] =	ssyncset.done $0x0  }
0xc3: {  	[sflag:s26] =	ssyncadd.s32 $0xFFFFE000  }
0xc4: {  	[spmem:s4] =	stream.indirect.scatter.add.f32 [tilespmem:s24], [sflag:$0x6], $0x40, s11, s23, $0xb8;
	[tilespmem:$0x1CC40] =	vst v63  }
0xc5: {  	_ =	swait.ge [sflag:s18], $0x2000  }
0xc6: {  	[sflag:s18] =	ssyncset.done $0x0  }
0xc7: {  	[sflag:s18] =	ssyncadd.s32 $0xFFFFE000  }
0xc8: {  	[tilespmem:s28], [sflag:$0x4] =	stream.indirect.gather [spmem:s3], $0x40, s12, s23, $0xb8;
	[tilespmem:$0x1CC40] =	vst v63  }
0xc9: {  	_ =	swait.ge [sflag:s29], $0x2000  }
0xca: {  	[sflag:s29] =	ssyncset.done $0x0  }
0xcb: {  	[sflag:s29] =	ssyncadd.s32 $0xFFFFE000  }
0xcc: {  	[spmem:s4] =	stream.indirect.scatter.add.f32 [tilespmem:s25], [sflag:$0x7], $0x40, s13, s23, $0xb8;
	[tilespmem:$0x1CC40] =	vst v63  }
0xcd: {  	_ =	swait.ge [sflag:s31], $0x2000  }
0xce: {  	[sflag:s31] =	ssyncset.done $0x0  }
0xcf: {  	[sflag:s31] =	ssyncadd.s32 $0xFFFFE000  }
0xd0: {  	[spmem:s4] =	stream.indirect.scatter.add.f32 [tilespmem:s28], [sflag:$0x8], $0x40, s14, s23, $0xb8;
	[tilespmem:$0x1CC40] =	vst v63  }
0xd1: {  	_ =	swait.ge [sflag:s30], $0x2000  }
0xd2: {  	[sflag:s30] =	ssyncset.done $0x0  }
0xd3: {  	[sflag:s30] =	ssyncadd.s32 $0xFFFFE000  }
0xd4: {  	_ =	swait.ge [sflag:s2], $0x2000  }
0xd5: {  	[sflag:s2] =	ssyncset.done $0x0  }
0xd6: {  	[sflag:s2] =	ssyncadd.s32 $0xFFFFE000  }
0xd7: {  	_ =	swait.ge [sflag:s0], $0x2000  }
0xd8: {  	[sflag:s0] =	ssyncset.done $0x0  }
0xd9: {  	[sflag:s0] =	ssyncadd.s32 $0xFFFFE000  }
0xda: {  	s8 =	simm.s32 $0x200;
	_ =	swait.ge [sflag:s18], $0x2000  }
0xdb: {  	s16 =	simm.s32 $0x100;
	s9 =	rddreg [dreg:$0x6];
	[sflag:s18] =	ssyncset.done $0x0  }
.LBB2_2:
0xdc: {  	[sflag:s18] =	ssyncadd.s32 $0xFFFFE000;
	s9 =	sadd.s32 s16, s9  }
0xdd: {  	[tilespmem:s5], [sflag:$0x9] =	stream.linear.gather [hbm4b:s9+s5], $0x800, $0x38;
	[tilespmem:$0x1CC40] =	vst v63  }
0xde: {  	_ =	swait.ge [sflag:s20], $0x800  }
0xdf: {  	[sflag:s20] =	ssyncset.done $0x0  }
0xe0: {  	s9 =	sadd.s32 s16, s6;
	[sflag:s20] =	ssyncadd.s32 $0xFFFFF800  }
0xe1: {  	[tilespmem:s22], [sflag:$0x9] =	stream.linear.gather [hbm4b:s9+s5], $0x800, $0x38;
	[tilespmem:$0x1CC40] =	vst v63  }
0xe2: {  	_ =	swait.ge [sflag:s20], $0x800  }
0xe3: {  	[sflag:s20] =	ssyncset.done $0x0  }
0xe4: {  	[sflag:s20] =	ssyncadd.s32 $0xFFFFF800  }
0xe5: {  	[tilespmem:s21], [sflag:$0x1] =	stream.indirect.gather [spmem:s3], $0x40, s5, s23, $0xb8;
	[tilespmem:$0x1CC40] =	vst v63  }
0xe6: {  	_ = 	snop  }
0xe7: {  	[tilespmem:s24], [sflag:$0x2] =	stream.indirect.gather [spmem:s3], $0x40, s23, s23, $0xb8;
	[tilespmem:$0x1CC40] =	vst v63  }
0xe8: {  	_ =	swait.ge [sflag:s17], $0x2000  }
0xe9: {  	[sflag:s17] =	ssyncset.done $0x0  }
0xea: {  	s15 =	smov.u32 s8;
	[sflag:s17] =	ssyncadd.s32 $0xFFFFE000  }
0xeb: {  	[spmem:s4] =	stream.indirect.scatter.add.f32 [tilespmem:s21], [sflag:$0x5], $0x40, s22, s23, $0xb8;
	[tilespmem:$0x1CC40] =	vst v63  }
0xec: {  	s16 =	smov.u32 s15;
	s15 =	rddreg [dreg:$0x7]  }
0xed: {  	[tilespmem:s25], [sflag:$0x3] =	stream.indirect.gather [spmem:s3], $0x40, s15, s23, $0xb8;
	[tilespmem:$0x1CC40] =	vst v63  }
0xee: {  	_ =	swait.ge [sflag:s26], $0x2000  }
0xef: {  	[sflag:s26] =	ssyncset.done $0x0  }
0xf0: {  	s9 =	rddreg [dreg:$0x8];
	[sflag:s26] =	ssyncadd.s32 $0xFFFFE000  }
0xf1: {  	[spmem:s4] =	stream.indirect.scatter.add.f32 [tilespmem:s24], [sflag:$0x6], $0x40, s9, s23, $0xb8;
	[tilespmem:$0x1CC40] =	vst v63  }
0xf2: {  	s15 =	rddreg [dreg:$0x9]  }
0xf3: {  	[tilespmem:s28], [sflag:$0x4] =	stream.indirect.gather [spmem:s3], $0x40, s15, s23, $0xb8;
	[tilespmem:$0x1CC40] =	vst v63  }
0xf4: {  	_ =	swait.ge [sflag:s29], $0x2000  }
0xf5: {  	[sflag:s29] =	ssyncset.done $0x0  }
0xf6: {  	s15 =	rddreg [dreg:$0xa];
	[sflag:s29] =	ssyncadd.s32 $0xFFFFE000  }
0xf7: {  	[spmem:s4] =	stream.indirect.scatter.add.f32 [tilespmem:s25], [sflag:$0x7], $0x40, s15, s23, $0xb8;
	[tilespmem:$0x1CC40] =	vst v63  }
0xf8: {  	_ =	swait.ge [sflag:s30], $0x2000  }
0xf9: {  	[sflag:s30] =	ssyncset.done $0x0  }
0xfa: {  	s15 =	rddreg [dreg:$0xb];
	[sflag:s30] =	ssyncadd.s32 $0xFFFFE000  }
0xfb: {  	[tilespmem:s21], [sflag:$0x1] =	stream.indirect.gather [spmem:s3], $0x40, s15, s23, $0xb8;
	[tilespmem:$0x1CC40] =	vst v63  }
0xfc: {  	_ =	swait.ge [sflag:s31], $0x2000  }
0xfd: {  	[sflag:s31] =	ssyncset.done $0x0  }
0xfe: {  	s15 =	rddreg [dreg:$0xc];
	[sflag:s31] =	ssyncadd.s32 $0xFFFFE000  }
0xff: {  	[spmem:s4] =	stream.indirect.scatter.add.f32 [tilespmem:s28], [sflag:$0x8], $0x40, s15, s23, $0xb8;
	[tilespmem:$0x1CC40] =	vst v63  }
0x100: {  	_ =	swait.ge [sflag:s2], $0x2000  }
0x101: {  	[sflag:s2] =	ssyncset.done $0x0  }
0x102: {  	s15 =	rddreg [dreg:$0xd];
	[sflag:s2] =	ssyncadd.s32 $0xFFFFE000  }
0x103: {  	[tilespmem:s24], [sflag:$0x2] =	stream.indirect.gather [spmem:s3], $0x40, s15, s23, $0xb8;
	[tilespmem:$0x1CC40] =	vst v63  }
0x104: {  	_ =	swait.ge [sflag:s17], $0x2000  }
0x105: {  	[sflag:s17] =	ssyncset.done $0x0  }
0x106: {  	s15 =	rddreg [dreg:$0xe];
	[sflag:s17] =	ssyncadd.s32 $0xFFFFE000  }
0x107: {  	[spmem:s4] =	stream.indirect.scatter.add.f32 [tilespmem:s21], [sflag:$0x5], $0x40, s15, s23, $0xb8;
	[tilespmem:$0x1CC40] =	vst v63  }
0x108: {  	_ =	swait.ge [sflag:s0], $0x2000  }
0x109: {  	[sflag:s0] =	ssyncset.done $0x0  }
0x10a: {  	s15 =	rddreg [dreg:$0xf];
	[sflag:s0] =	ssyncadd.s32 $0xFFFFE000  }
0x10b: {  	[tilespmem:s25], [sflag:$0x3] =	stream.indirect.gather [spmem:s3], $0x40, s15, s23, $0xb8;
	[tilespmem:$0x1CC40] =	vst v63  }
0x10c: {  	_ =	swait.ge [sflag:s26], $0x2000  }
0x10d: {  	[sflag:s26] =	ssyncset.done $0x0  }
0x10e: {  	s15 =	rddreg [dreg:$0x10];
	[sflag:s26] =	ssyncadd.s32 $0xFFFFE000  }
0x10f: {  	[spmem:s4] =	stream.indirect.scatter.add.f32 [tilespmem:s24], [sflag:$0x6], $0x40, s15, s23, $0xb8;
	[tilespmem:$0x1CC40] =	vst v63  }
0x110: {  	_ =	swait.ge [sflag:s18], $0x2000  }
0x111: {  	[sflag:s18] =	ssyncset.done $0x0  }
0x112: {  	s15 =	rddreg [dreg:$0x11];
	[sflag:s18] =	ssyncadd.s32 $0xFFFFE000  }
0x113: {  	[tilespmem:s28], [sflag:$0x4] =	stream.indirect.gather [spmem:s3], $0x40, s15, s23, $0xb8;
	[tilespmem:$0x1CC40] =	vst v63  }
0x114: {  	_ =	swait.ge [sflag:s29], $0x2000  }
0x115: {  	[sflag:s29] =	ssyncset.done $0x0  }
0x116: {  	s15 =	rddreg [dreg:$0x12];
	[sflag:s29] =	ssyncadd.s32 $0xFFFFE000  }
0x117: {  	[spmem:s4] =	stream.indirect.scatter.add.f32 [tilespmem:s25], [sflag:$0x7], $0x40, s15, s23, $0xb8;
	[tilespmem:$0x1CC40] =	vst v63  }
0x118: {  	_ =	swait.ge [sflag:s30], $0x2000  }
0x119: {  	[sflag:s30] =	ssyncset.done $0x0  }
0x11a: {  	s15 =	rddreg [dreg:$0x13];
	[sflag:s30] =	ssyncadd.s32 $0xFFFFE000  }
0x11b: {  	[tilespmem:s21], [sflag:$0x1] =	stream.indirect.gather [spmem:s3], $0x40, s15, s23, $0xb8;
	[tilespmem:$0x1CC40] =	vst v63  }
0x11c: {  	_ =	swait.ge [sflag:s31], $0x2000  }
0x11d: {  	[sflag:s31] =	ssyncset.done $0x0  }
0x11e: {  	s15 =	rddreg [dreg:$0x14];
	[sflag:s31] =	ssyncadd.s32 $0xFFFFE000  }
0x11f: {  	[spmem:s4] =	stream.indirect.scatter.add.f32 [tilespmem:s28], [sflag:$0x8], $0x40, s15, s23, $0xb8;
	[tilespmem:$0x1CC40] =	vst v63  }
0x120: {  	_ =	swait.ge [sflag:s2], $0x2000  }
0x121: {  	[sflag:s2] =	ssyncset.done $0x0  }
0x122: {  	s15 =	rddreg [dreg:$0x15];
	[sflag:s2] =	ssyncadd.s32 $0xFFFFE000  }
0x123: {  	[tilespmem:s24], [sflag:$0x2] =	stream.indirect.gather [spmem:s3], $0x40, s15, s23, $0xb8;
	[tilespmem:$0x1CC40] =	vst v63  }
0x124: {  	_ =	swait.ge [sflag:s17], $0x2000  }
0x125: {  	[sflag:s17] =	ssyncset.done $0x0  }
0x126: {  	s15 =	rddreg [dreg:$0x16];
	[sflag:s17] =	ssyncadd.s32 $0xFFFFE000  }
0x127: {  	[spmem:s4] =	stream.indirect.scatter.add.f32 [tilespmem:s21], [sflag:$0x5], $0x40, s15, s23, $0xb8;
	[tilespmem:$0x1CC40] =	vst v63  }
0x128: {  	_ =	swait.ge [sflag:s0], $0x2000  }
0x129: {  	[sflag:s0] =	ssyncset.done $0x0  }
0x12a: {  	s15 =	rddreg [dreg:$0x17];
	[sflag:s0] =	ssyncadd.s32 $0xFFFFE000  }
0x12b: {  	[tilespmem:s25], [sflag:$0x3] =	stream.indirect.gather [spmem:s3], $0x40, s15, s23, $0xb8;
	[tilespmem:$0x1CC40] =	vst v63  }
0x12c: {  	_ =	swait.ge [sflag:s26], $0x2000  }
0x12d: {  	[sflag:s26] =	ssyncset.done $0x0  }
0x12e: {  	s15 =	rddreg [dreg:$0x18];
	[sflag:s26] =	ssyncadd.s32 $0xFFFFE000  }
0x12f: {  	[spmem:s4] =	stream.indirect.scatter.add.f32 [tilespmem:s24], [sflag:$0x6], $0x40, s15, s23, $0xb8;
	[tilespmem:$0x1CC40] =	vst v63  }
0x130: {  	_ =	swait.ge [sflag:s18], $0x2000  }
0x131: {  	[sflag:s18] =	ssyncset.done $0x0  }
0x132: {  	s15 =	rddreg [dreg:$0x19];
	[sflag:s18] =	ssyncadd.s32 $0xFFFFE000  }
0x133: {  	[tilespmem:s28], [sflag:$0x4] =	stream.indirect.gather [spmem:s3], $0x40, s15, s23, $0xb8;
	[tilespmem:$0x1CC40] =	vst v63  }
0x134: {  	_ =	swait.ge [sflag:s29], $0x2000  }
0x135: {  	[sflag:s29] =	ssyncset.done $0x0  }
0x136: {  	s15 =	rddreg [dreg:$0x1a];
	[sflag:s29] =	ssyncadd.s32 $0xFFFFE000  }
0x137: {  	[spmem:s4] =	stream.indirect.scatter.add.f32 [tilespmem:s25], [sflag:$0x7], $0x40, s15, s23, $0xb8;
	[tilespmem:$0x1CC40] =	vst v63  }
0x138: {  	_ =	swait.ge [sflag:s30], $0x2000  }
0x139: {  	[sflag:s30] =	ssyncset.done $0x0  }
0x13a: {  	s15 =	rddreg [dreg:$0x1b];
	[sflag:s30] =	ssyncadd.s32 $0xFFFFE000  }
0x13b: {  	[tilespmem:s21], [sflag:$0x1] =	stream.indirect.gather [spmem:s3], $0x40, s15, s23, $0xb8;
	[tilespmem:$0x1CC40] =	vst v63  }
0x13c: {  	_ =	swait.ge [sflag:s31], $0x2000  }
0x13d: {  	[sflag:s31] =	ssyncset.done $0x0  }
0x13e: {  	[sflag:s31] =	ssyncadd.s32 $0xFFFFE000  }
0x13f: {  	[spmem:s4] =	stream.indirect.scatter.add.f32 [tilespmem:s28], [sflag:$0x8], $0x40, s1, s23, $0xb8;
	[tilespmem:$0x1CC40] =	vst v63  }
0x140: {  	_ =	swait.ge [sflag:s2], $0x2000  }
0x141: {  	[sflag:s2] =	ssyncset.done $0x0  }
0x142: {  	[sflag:s2] =	ssyncadd.s32 $0xFFFFE000  }
0x143: {  	[tilespmem:s24], [sflag:$0x2] =	stream.indirect.gather [spmem:s3], $0x40, s19, s23, $0xb8;
	[tilespmem:$0x1CC40] =	vst v63  }
0x144: {  	_ =	swait.ge [sflag:s17], $0x2000  }
0x145: {  	[sflag:s17] =	ssyncset.done $0x0  }
0x146: {  	[sflag:s17] =	ssyncadd.s32 $0xFFFFE000  }
0x147: {  	[spmem:s4] =	stream.indirect.scatter.add.f32 [tilespmem:s21], [sflag:$0x5], $0x40, s7, s23, $0xb8;
	[tilespmem:$0x1CC40] =	vst v63  }
0x148: {  	_ =	swait.ge [sflag:s0], $0x2000  }
0x149: {  	[sflag:s0] =	ssyncset.done $0x0  }
0x14a: {  	[sflag:s0] =	ssyncadd.s32 $0xFFFFE000  }
0x14b: {  	[tilespmem:s25], [sflag:$0x3] =	stream.indirect.gather [spmem:s3], $0x40, s10, s23, $0xb8;
	[tilespmem:$0x1CC40] =	vst v63  }
0x14c: {  	_ =	swait.ge [sflag:s26], $0x2000  }
0x14d: {  	[sflag:s26] =	ssyncset.done $0x0  }
0x14e: {  	[sflag:s26] =	ssyncadd.s32 $0xFFFFE000  }
0x14f: {  	[spmem:s4] =	stream.indirect.scatter.add.f32 [tilespmem:s24], [sflag:$0x6], $0x40, s11, s23, $0xb8;
	[tilespmem:$0x1CC40] =	vst v63  }
0x150: {  	_ =	swait.ge [sflag:s18], $0x2000  }
0x151: {  	[sflag:s18] =	ssyncset.done $0x0  }
0x152: {  	[sflag:s18] =	ssyncadd.s32 $0xFFFFE000  }
0x153: {  	[tilespmem:s28], [sflag:$0x4] =	stream.indirect.gather [spmem:s3], $0x40, s12, s23, $0xb8;
	[tilespmem:$0x1CC40] =	vst v63  }
0x154: {  	_ =	swait.ge [sflag:s29], $0x2000  }
0x155: {  	[sflag:s29] =	ssyncset.done $0x0  }
0x156: {  	[sflag:s29] =	ssyncadd.s32 $0xFFFFE000  }
0x157: {  	[spmem:s4] =	stream.indirect.scatter.add.f32 [tilespmem:s25], [sflag:$0x7], $0x40, s13, s23, $0xb8;
	[tilespmem:$0x1CC40] =	vst v63  }
0x158: {  	_ =	swait.ge [sflag:s31], $0x2000  }
0x159: {  	[sflag:s31] =	ssyncset.done $0x0  }
0x15a: {  	[sflag:s31] =	ssyncadd.s32 $0xFFFFE000  }
0x15b: {  	[spmem:s4] =	stream.indirect.scatter.add.f32 [tilespmem:s28], [sflag:$0x8], $0x40, s14, s23, $0xb8;
	[tilespmem:$0x1CC40] =	vst v63  }
0x15c: {  	_ =	swait.ge [sflag:s30], $0x2000  }
0x15d: {  	[sflag:s30] =	ssyncset.done $0x0  }
0x15e: {  	[sflag:s30] =	ssyncadd.s32 $0xFFFFE000  }
0x15f: {  	_ =	swait.ge [sflag:s2], $0x2000  }
0x160: {  	[sflag:s2] =	ssyncset.done $0x0  }
0x161: {  	p0 =	sne.s32 s8, $0x900;
	[sflag:s2] =	ssyncadd.s32 $0xFFFFE000  }
.Ltmp0:
0x162: {  	_ =	swait.ge [sflag:s0], $0x2000;
	(pc) =	sbr.rel @p0 .LBB2_2-.Ltmp0, $4  }
0x163: {  	[sflag:s0] =	ssyncset.done $0x0  }
0x164: {  	[sflag:s0] =	ssyncadd.s32 $0xFFFFE000  }
0x165: {  	_ =	swait.ge [sflag:s18], $0x2000  }
0x166: {  	s8 =	sadd.s32 $0x100, s8;
	s9 =	rddreg [dreg:$0x6];
	[sflag:s18] =	ssyncset.done $0x0  }
0x167: {  	[sflag:s18] =	ssyncadd.s32 $0xFFFFE000;
	s8 =	sadd.s32 s16, s9  }
0x168: {  	[tilespmem:s5], [sflag:$0x9] =	stream.linear.gather [hbm4b:s8+s5], $0x800, $0x38;
	[tilespmem:$0x1CC40] =	vst v63  }
0x169: {  	_ =	swait.ge [sflag:s20], $0x800  }
0x16a: {  	[sflag:s20] =	ssyncset.done $0x0  }
0x16b: {  	s16 =	sadd.s32 s16, s6;
	[sflag:s20] =	ssyncadd.s32 $0xFFFFF800  }
0x16c: {  	[tilespmem:s22], [sflag:$0x9] =	stream.linear.gather [hbm4b:s16+s5], $0x800, $0x38;
	[tilespmem:$0x1CC40] =	vst v63  }
0x16d: {  	_ =	swait.ge [sflag:s20], $0x800  }
0x16e: {  	[sflag:s20] =	ssyncset.done $0x0  }
0x16f: {  	[sflag:s20] =	ssyncadd.s32 $0xFFFFF800  }
0x170: {  	[tilespmem:s21], [sflag:$0x1] =	stream.indirect.gather [spmem:s3], $0x40, s5, s23, $0xb8;
	[tilespmem:$0x1CC40] =	vst v63  }
0x171: {  	_ = 	snop  }
0x172: {  	[tilespmem:s24], [sflag:$0x2] =	stream.indirect.gather [spmem:s3], $0x40, s23, s23, $0xb8;
	[tilespmem:$0x1CC40] =	vst v63  }
0x173: {  	_ =	swait.ge [sflag:s17], $0x2000  }
0x174: {  	[sflag:s17] =	ssyncset.done $0x0  }
0x175: {  	[sflag:s17] =	ssyncadd.s32 $0xFFFFE000  }
0x176: {  	[spmem:s4] =	stream.indirect.scatter.add.f32 [tilespmem:s21], [sflag:$0x5], $0x40, s22, s23, $0xb8;
	[tilespmem:$0x1CC40] =	vst v63  }
0x177: {  	s9 =	rddreg [dreg:$0x7]  }
0x178: {  	[tilespmem:s25], [sflag:$0x3] =	stream.indirect.gather [spmem:s3], $0x40, s9, s23, $0xb8;
	[tilespmem:$0x1CC40] =	vst v63  }
0x179: {  	_ =	swait.ge [sflag:s26], $0x2000  }
0x17a: {  	[sflag:s26] =	ssyncset.done $0x0  }
0x17b: {  	s15 =	rddreg [dreg:$0x8];
	[sflag:s26] =	ssyncadd.s32 $0xFFFFE000  }
0x17c: {  	[spmem:s4] =	stream.indirect.scatter.add.f32 [tilespmem:s24], [sflag:$0x6], $0x40, s15, s23, $0xb8;
	[tilespmem:$0x1CC40] =	vst v63  }
0x17d: {  	s16 =	rddreg [dreg:$0x9]  }
0x17e: {  	[tilespmem:s28], [sflag:$0x4] =	stream.indirect.gather [spmem:s3], $0x40, s16, s23, $0xb8;
	[tilespmem:$0x1CC40] =	vst v63  }
0x17f: {  	_ =	swait.ge [sflag:s29], $0x2000  }
0x180: {  	[sflag:s29] =	ssyncset.done $0x0  }
0x181: {  	s9 =	rddreg [dreg:$0xa];
	[sflag:s29] =	ssyncadd.s32 $0xFFFFE000  }
0x182: {  	[spmem:s4] =	stream.indirect.scatter.add.f32 [tilespmem:s25], [sflag:$0x7], $0x40, s9, s23, $0xb8;
	[tilespmem:$0x1CC40] =	vst v63  }
0x183: {  	_ =	swait.ge [sflag:s30], $0x2000  }
0x184: {  	[sflag:s30] =	ssyncset.done $0x0  }
0x185: {  	s15 =	rddreg [dreg:$0xb];
	[sflag:s30] =	ssyncadd.s32 $0xFFFFE000  }
0x186: {  	[tilespmem:s21], [sflag:$0x1] =	stream.indirect.gather [spmem:s3], $0x40, s15, s23, $0xb8;
	[tilespmem:$0x1CC40] =	vst v63  }
0x187: {  	_ =	swait.ge [sflag:s31], $0x2000  }
0x188: {  	[sflag:s31] =	ssyncset.done $0x0  }
0x189: {  	s16 =	rddreg [dreg:$0xc];
	[sflag:s31] =	ssyncadd.s32 $0xFFFFE000  }
0x18a: {  	[spmem:s4] =	stream.indirect.scatter.add.f32 [tilespmem:s28], [sflag:$0x8], $0x40, s16, s23, $0xb8;
	[tilespmem:$0x1CC40] =	vst v63  }
0x18b: {  	_ =	swait.ge [sflag:s2], $0x2000  }
0x18c: {  	[sflag:s2] =	ssyncset.done $0x0  }
0x18d: {  	s9 =	rddreg [dreg:$0xd];
	[sflag:s2] =	ssyncadd.s32 $0xFFFFE000  }
0x18e: {  	[tilespmem:s24], [sflag:$0x2] =	stream.indirect.gather [spmem:s3], $0x40, s9, s23, $0xb8;
	[tilespmem:$0x1CC40] =	vst v63  }
0x18f: {  	_ =	swait.ge [sflag:s17], $0x2000  }
0x190: {  	[sflag:s17] =	ssyncset.done $0x0  }
0x191: {  	s15 =	rddreg [dreg:$0xe];
	[sflag:s17] =	ssyncadd.s32 $0xFFFFE000  }
0x192: {  	[spmem:s4] =	stream.indirect.scatter.add.f32 [tilespmem:s21], [sflag:$0x5], $0x40, s15, s23, $0xb8;
	[tilespmem:$0x1CC40] =	vst v63  }
0x193: {  	_ =	swait.ge [sflag:s0], $0x2000  }
0x194: {  	[sflag:s0] =	ssyncset.done $0x0  }
0x195: {  	s16 =	rddreg [dreg:$0xf];
	[sflag:s0] =	ssyncadd.s32 $0xFFFFE000  }
0x196: {  	[tilespmem:s25], [sflag:$0x3] =	stream.indirect.gather [spmem:s3], $0x40, s16, s23, $0xb8;
	[tilespmem:$0x1CC40] =	vst v63  }
0x197: {  	_ =	swait.ge [sflag:s26], $0x2000  }
0x198: {  	[sflag:s26] =	ssyncset.done $0x0  }
0x199: {  	s9 =	rddreg [dreg:$0x10];
	[sflag:s26] =	ssyncadd.s32 $0xFFFFE000  }
0x19a: {  	[spmem:s4] =	stream.indirect.scatter.add.f32 [tilespmem:s24], [sflag:$0x6], $0x40, s9, s23, $0xb8;
	[tilespmem:$0x1CC40] =	vst v63  }
0x19b: {  	_ =	swait.ge [sflag:s18], $0x2000  }
0x19c: {  	[sflag:s18] =	ssyncset.done $0x0  }
0x19d: {  	s15 =	rddreg [dreg:$0x11];
	[sflag:s18] =	ssyncadd.s32 $0xFFFFE000  }
0x19e: {  	[tilespmem:s28], [sflag:$0x4] =	stream.indirect.gather [spmem:s3], $0x40, s15, s23, $0xb8;
	[tilespmem:$0x1CC40] =	vst v63  }
0x19f: {  	_ =	swait.ge [sflag:s29], $0x2000  }
0x1a0: {  	[sflag:s29] =	ssyncset.done $0x0  }
0x1a1: {  	s16 =	rddreg [dreg:$0x12];
	[sflag:s29] =	ssyncadd.s32 $0xFFFFE000  }
0x1a2: {  	[spmem:s4] =	stream.indirect.scatter.add.f32 [tilespmem:s25], [sflag:$0x7], $0x40, s16, s23, $0xb8;
	[tilespmem:$0x1CC40] =	vst v63  }
0x1a3: {  	_ =	swait.ge [sflag:s30], $0x2000  }
0x1a4: {  	[sflag:s30] =	ssyncset.done $0x0  }
0x1a5: {  	s9 =	rddreg [dreg:$0x13];
	[sflag:s30] =	ssyncadd.s32 $0xFFFFE000  }
0x1a6: {  	[tilespmem:s21], [sflag:$0x1] =	stream.indirect.gather [spmem:s3], $0x40, s9, s23, $0xb8;
	[tilespmem:$0x1CC40] =	vst v63  }
0x1a7: {  	_ =	swait.ge [sflag:s31], $0x2000  }
0x1a8: {  	[sflag:s31] =	ssyncset.done $0x0  }
0x1a9: {  	s15 =	rddreg [dreg:$0x14];
	[sflag:s31] =	ssyncadd.s32 $0xFFFFE000  }
0x1aa: {  	[spmem:s4] =	stream.indirect.scatter.add.f32 [tilespmem:s28], [sflag:$0x8], $0x40, s15, s23, $0xb8;
	[tilespmem:$0x1CC40] =	vst v63  }
0x1ab: {  	_ =	swait.ge [sflag:s2], $0x2000  }
0x1ac: {  	[sflag:s2] =	ssyncset.done $0x0  }
0x1ad: {  	s16 =	rddreg [dreg:$0x15];
	[sflag:s2] =	ssyncadd.s32 $0xFFFFE000  }
0x1ae: {  	[tilespmem:s24], [sflag:$0x2] =	stream.indirect.gather [spmem:s3], $0x40, s16, s23, $0xb8;
	[tilespmem:$0x1CC40] =	vst v63  }
0x1af: {  	_ =	swait.ge [sflag:s17], $0x2000  }
0x1b0: {  	[sflag:s17] =	ssyncset.done $0x0  }
0x1b1: {  	s9 =	rddreg [dreg:$0x16];
	[sflag:s17] =	ssyncadd.s32 $0xFFFFE000  }
0x1b2: {  	[spmem:s4] =	stream.indirect.scatter.add.f32 [tilespmem:s21], [sflag:$0x5], $0x40, s9, s23, $0xb8;
	[tilespmem:$0x1CC40] =	vst v63  }
0x1b3: {  	_ =	swait.ge [sflag:s0], $0x2000  }
0x1b4: {  	[sflag:s0] =	ssyncset.done $0x0  }
0x1b5: {  	s15 =	rddreg [dreg:$0x17];
	[sflag:s0] =	ssyncadd.s32 $0xFFFFE000  }
0x1b6: {  	[tilespmem:s25], [sflag:$0x3] =	stream.indirect.gather [spmem:s3], $0x40, s15, s23, $0xb8;
	[tilespmem:$0x1CC40] =	vst v63  }
0x1b7: {  	_ =	swait.ge [sflag:s26], $0x2000  }
0x1b8: {  	[sflag:s26] =	ssyncset.done $0x0  }
0x1b9: {  	s16 =	rddreg [dreg:$0x18];
	[sflag:s26] =	ssyncadd.s32 $0xFFFFE000  }
0x1ba: {  	[spmem:s4] =	stream.indirect.scatter.add.f32 [tilespmem:s24], [sflag:$0x6], $0x40, s16, s23, $0xb8;
	[tilespmem:$0x1CC40] =	vst v63  }
0x1bb: {  	_ =	swait.ge [sflag:s18], $0x2000  }
0x1bc: {  	[sflag:s18] =	ssyncset.done $0x0  }
0x1bd: {  	s9 =	rddreg [dreg:$0x19];
	[sflag:s18] =	ssyncadd.s32 $0xFFFFE000  }
0x1be: {  	[tilespmem:s28], [sflag:$0x4] =	stream.indirect.gather [spmem:s3], $0x40, s9, s23, $0xb8;
	[tilespmem:$0x1CC40] =	vst v63  }
0x1bf: {  	_ =	swait.ge [sflag:s29], $0x2000  }
0x1c0: {  	[sflag:s29] =	ssyncset.done $0x0  }
0x1c1: {  	s15 =	rddreg [dreg:$0x1a];
	[sflag:s29] =	ssyncadd.s32 $0xFFFFE000  }
0x1c2: {  	[spmem:s4] =	stream.indirect.scatter.add.f32 [tilespmem:s25], [sflag:$0x7], $0x40, s15, s23, $0xb8;
	[tilespmem:$0x1CC40] =	vst v63  }
0x1c3: {  	_ =	swait.ge [sflag:s30], $0x2000  }
0x1c4: {  	[sflag:s30] =	ssyncset.done $0x0  }
0x1c5: {  	s16 =	rddreg [dreg:$0x1b];
	[sflag:s30] =	ssyncadd.s32 $0xFFFFE000  }
0x1c6: {  	[tilespmem:s21], [sflag:$0x1] =	stream.indirect.gather [spmem:s3], $0x40, s16, s23, $0xb8;
	[tilespmem:$0x1CC40] =	vst v63  }
0x1c7: {  	_ =	swait.ge [sflag:s31], $0x2000  }
0x1c8: {  	[sflag:s31] =	ssyncset.done $0x0  }
0x1c9: {  	[sflag:s31] =	ssyncadd.s32 $0xFFFFE000  }
0x1ca: {  	[spmem:s4] =	stream.indirect.scatter.add.f32 [tilespmem:s28], [sflag:$0x8], $0x40, s1, s23, $0xb8;
	[tilespmem:$0x1CC40] =	vst v63  }
0x1cb: {  	_ =	swait.ge [sflag:s2], $0x2000  }
0x1cc: {  	[sflag:s2] =	ssyncset.done $0x0  }
0x1cd: {  	[sflag:s2] =	ssyncadd.s32 $0xFFFFE000  }
0x1ce: {  	[tilespmem:s24], [sflag:$0x2] =	stream.indirect.gather [spmem:s3], $0x40, s19, s23, $0xb8;
	[tilespmem:$0x1CC40] =	vst v63  }
0x1cf: {  	_ =	swait.ge [sflag:s17], $0x2000  }
0x1d0: {  	[sflag:s17] =	ssyncset.done $0x0  }
0x1d1: {  	[sflag:s17] =	ssyncadd.s32 $0xFFFFE000  }
0x1d2: {  	[spmem:s4] =	stream.indirect.scatter.add.f32 [tilespmem:s21], [sflag:$0x5], $0x40, s7, s23, $0xb8;
	[tilespmem:$0x1CC40] =	vst v63  }
0x1d3: {  	_ =	swait.ge [sflag:s0], $0x2000  }
0x1d4: {  	[sflag:s0] =	ssyncset.done $0x0  }
0x1d5: {  	[sflag:s0] =	ssyncadd.s32 $0xFFFFE000  }
0x1d6: {  	[tilespmem:s25], [sflag:$0x3] =	stream.indirect.gather [spmem:s3], $0x40, s10, s23, $0xb8;
	[tilespmem:$0x1CC40] =	vst v63  }
0x1d7: {  	_ =	swait.ge [sflag:s26], $0x2000  }
0x1d8: {  	[sflag:s26] =	ssyncset.done $0x0  }
0x1d9: {  	[sflag:s26] =	ssyncadd.s32 $0xFFFFE000  }
0x1da: {  	[spmem:s4] =	stream.indirect.scatter.add.f32 [tilespmem:s24], [sflag:$0x6], $0x40, s11, s23, $0xb8;
	[tilespmem:$0x1CC40] =	vst v63  }
0x1db: {  	_ =	swait.ge [sflag:s18], $0x2000  }
0x1dc: {  	[sflag:s18] =	ssyncset.done $0x0  }
0x1dd: {  	[sflag:s18] =	ssyncadd.s32 $0xFFFFE000  }
0x1de: {  	[tilespmem:s28], [sflag:$0x4] =	stream.indirect.gather [spmem:s3], $0x40, s12, s23, $0xb8;
	[tilespmem:$0x1CC40] =	vst v63  }
0x1df: {  	_ =	swait.ge [sflag:s29], $0x2000  }
0x1e0: {  	[sflag:s29] =	ssyncset.done $0x0  }
0x1e1: {  	[sflag:s29] =	ssyncadd.s32 $0xFFFFE000  }
0x1e2: {  	[spmem:s4] =	stream.indirect.scatter.add.f32 [tilespmem:s25], [sflag:$0x7], $0x40, s13, s23, $0xb8;
	[tilespmem:$0x1CC40] =	vst v63  }
0x1e3: {  	_ =	swait.ge [sflag:s31], $0x2000  }
0x1e4: {  	[sflag:s31] =	ssyncset.done $0x0  }
0x1e5: {  	[sflag:s31] =	ssyncadd.s32 $0xFFFFE000  }
0x1e6: {  	[spmem:s4] =	stream.indirect.scatter.add.f32 [tilespmem:s28], [sflag:$0x8], $0x40, s14, s23, $0xb8;
	[tilespmem:$0x1CC40] =	vst v63  }
0x1e7: {  	_ =	swait.ge [sflag:s30], $0x2000  }
0x1e8: {  	[sflag:s30] =	ssyncset.done $0x0  }
0x1e9: {  	[sflag:s30] =	ssyncadd.s32 $0xFFFFE000  }
0x1ea: {  	_ =	swait.ge [sflag:s2], $0x2000  }
0x1eb: {  	[sflag:s2] =	ssyncset.done $0x0  }
0x1ec: {  	[sflag:s2] =	ssyncadd.s32 $0xFFFFE000  }
0x1ed: {  	_ =	swait.ge [sflag:s0], $0x2000  }
0x1ee: {  	[sflag:s0] =	ssyncset.done $0x0  }
0x1ef: {  	[sflag:s0] =	ssyncadd.s32 $0xFFFFE000  }
0x1f0: {  	_ =	swait.ge [sflag:s18], $0x2000  }
0x1f1: {  	[sflag:s18] =	ssyncset.done $0x0  }
0x1f2: {  	[sflag:s18] =	ssyncadd.s32 $0xFFFFE000  }
0x1f3: {  	[bflag:$0x0] =	sbarrier.arrive $0xFFFF  }
0x1f4: {  	s16 =	sld [smem:$0x7FB]  }
0x1f5: {  	s8 =	rddreg [dreg:$0x1e]  }
0x1f6: {  	s15 =	rddreg [dreg:$0x1d];
	s9 =	sshrl.u32 s8, $0x3  }
0x1f7: {  	[hbm:s16], [sflag:s15] =	dma.local [spmem:s9], $0x1400  }
0x1f8: {  	_ =	swait.ge [sflag:s20], $0x1400  }
0x1f9: {  	s15 =	sld [smem:$0x7F7]  }
0x1fa: {  	s16 =	sld [smem:$0x7FC];
	_ =	sdelay $0x1  }
0x1fb: {  	s9 =	sadd.s32 $0x1, s15  }
0x1fc: {  	p0 =	sne.s32 s9, s16  }
.Ltmp1:
0x1fd: {  	_ = 	snop;
	(pc) =	sbr.rel @p0 .LBB2_1-.Ltmp1, $3  }
0x1fe: {  	_ =	sdelay $0x1  }
0x1ff: {  	[sflag:s20] =	ssyncset.done $0x0  }
0x200: {  	[sflag:s20] =	ssyncadd.s32 $0xFFFFEC00  }
0x201: {  	_ =	sfence.sel $0x180000  }
0x202: {  	[bflag:$0x0] =	sbarrier.arrive $0xFFFF  }
0x203: {  	_ =	strace $0x90000047  }
0x204: {  	s0 =	stileid.u32;
	[bflag:$0x2] =	sbarrier.arrive $0xFFFF  }
0x205: {  	p0 =	sne.s32 s0, $0x0;
	s0 =	rddreg [dreg:$0x5]  }
0x206: {  	s0 =	sadd.s32 @!p0 $0x100000, s0  }
0x207: {  	[sflag:s0] =	ssyncadd.tile.s32 @!p0 $0x1;
	_ =	shalt  }
.Lfunc_end2:
_tile_overlayer_lowered:
.L_overlay_start_2:
0x208: {  	(tag) =	ssettag $0x2  }
0x209: {  	s0 =	rddreg [dreg:$0x0];
	s2 =	stileid.u32  }
0x20a: {  	s1 =	rddreg [dreg:$0x1];
	p0 =	sne.s32 s2, $0x0  }
0x20b: {  	s3 =	rddreg [dreg:$0x2];
	[bflag:$0x3] =	sbarrier.arrive $0xFFFF;
	s2 =	simm.s32 @!p0 $0x1C09  }
0x20c: {  	[timem:s3], [sflag:s2] =	dma.local @!p0 [hbm:s0], s1  }
0x20d: {  	s0 =	simm.s32 @!p0 $0x9  }
0x20e: {  	_ =	swait.ge @!p0 [sflag:s0], s1  }
0x20f: {  	s1 =	ssub.s32 @!p0 $0x0, s1;
	[sflag:s0] =	ssyncset.done @!p0 $0x0  }
0x210: {  	[sflag:s0] =	ssyncadd.s32 @!p0 s1  }
0x211: {  	[bflag:$0x3] =	sbarrier.arrive $0xFFFF  }
0x212: {  	_ =	shalt  }

</sc_bundles>
